<compile_context>
chip_gen: v7x
topology: tpu7x:2x2x1
jax: 0.10.2.dev20260603
libtpu: 0.0.44.dev20260713+nightly
codegen_flags: <defaults>
</compile_context>

<pallas_src>
import functools

import jax
import jax.numpy as jnp
from jax import lax
from jax.experimental import pallas as pl
from jax.experimental.pallas import tpu as pltpu
from jax.experimental.pallas import tpu_sc as plsc

_N = 20000
_NUM = 2048
_NT = 16
_PPT = 1250
_SL = 79
_PPAD = _SL * 16
_STR = 64


def _sc_body(x_hbm, y_hbm, z_hbm, w_hbm, out_hbm,
             x_v, y_v, z_v, w_v, dm_v, rec_v, all_v,
             o0_v, o1_v, o2_v, o3_v, shared):
    t = lax.axis_index("s")
    inf = jnp.float32(jnp.inf)
    io = lax.iota(jnp.int32, 16)

    pltpu.sync_copy(x_hbm.at[t], x_v)
    pltpu.sync_copy(y_hbm.at[t], y_v)
    pltpu.sync_copy(z_hbm.at[t], z_v)
    pltpu.sync_copy(w_hbm.at[t], w_v)

    def init_dm(s, carry):
        p = s * 16 + io
        dm_v[pl.ds(s * 16, 16)] = jnp.where(p < _PPT, inf, -inf)
        return carry

    lax.fori_loop(0, _SL, init_dm, 0)

    v0 = jnp.where(t == 0, inf, -inf)
    rec0 = jnp.where(io == 0, v0,
           jnp.where(io == 1, jnp.float32(0.0),
           jnp.where(io == 2, x_v[pl.ds(0, 16)][0],
           jnp.where(io == 3, y_v[pl.ds(0, 16)][0],
           jnp.where(io == 4, z_v[pl.ds(0, 16)][0],
                     w_v[pl.ds(0, 16)][0])))))
    rec_v[pl.ds(0, 16)] = rec0
    pltpu.sync_copy(rec_v, shared.at[pl.ds(t * _STR, 16)])
    plsc.subcore_barrier()

    basef = lax.convert_element_type(t * _PPT, jnp.float32)
    lane0 = io == 0
    big = jnp.float32(3e38)
    half = _NT * _STR

    def read_winner(buf):
        pltpu.sync_copy(shared.at[pl.ds(buf * half, half)], all_v)
        best = all_v[pl.ds(0, 16)]
        bv = best[0]
        for tt in range(1, _NT):
            r = all_v[pl.ds(tt * _STR, 16)]
            v = r[0]
            take = v > bv
            bv = jnp.where(take, v, bv)
            best = jnp.where(take, r, best)
        return best[2], best[3], best[4], best[5]

    def emit(i, bx, by, bz, bw):
        iv = jnp.broadcast_to(i, (16,)).astype(jnp.int32)
        for ref, val in ((o0_v, bx), (o1_v, by), (o2_v, bz), (o3_v, bw)):
            plsc.store_scatter(ref, [iv],
                               jnp.broadcast_to(val, (16,)), mask=lane0)

    def fps_iter(i, carry):
        bx, by, bz, bw = read_winner(lax.rem(i, 2))
        emit(i, bx, by, bz, bw)

        def slice_body(s, c2):
            rm, ri = c2
            off = s * 16
            xs = x_v[pl.ds(off, 16)]
            ys = y_v[pl.ds(off, 16)]
            zs = z_v[pl.ds(off, 16)]
            dx = xs - bx
            dy = ys - by
            dz = zs - bz
            d = (dx * dx + dy * dy) + dz * dz
            dm = jnp.minimum(dm_v[pl.ds(off, 16)], d)
            dm_v[pl.ds(off, 16)] = dm
            pf = basef + lax.convert_element_type(off + io, jnp.float32)
            better = dm > rm
            rm = jnp.where(better, dm, rm)
            ri = jnp.where(better, pf, ri)
            return rm, ri

        rm0 = jnp.full((16,), -inf, jnp.float32)
        ri0 = jnp.full((16,), big, jnp.float32)
        rm, ri = lax.fori_loop(0, _SL, slice_body, (rm0, ri0))

        m = jnp.max(rm)
        selif = jnp.min(jnp.where(rm == m, ri, big))
        p = lax.convert_element_type(selif, jnp.int32) - t * _PPT
        pc = jnp.where((p < 0) | (p >= _PPAD), 0, p)
        pvec = jnp.broadcast_to(pc, (16,))
        wx = plsc.load_gather(x_v, [pvec])
        wy = plsc.load_gather(y_v, [pvec])
        wz = plsc.load_gather(z_v, [pvec])
        ww = plsc.load_gather(w_v, [pvec])
        rec = jnp.where(io == 0, m,
              jnp.where(io == 1, selif,
              jnp.where(io == 2, wx,
              jnp.where(io == 3, wy,
              jnp.where(io == 4, wz, ww)))))
        rec_v[pl.ds(0, 16)] = rec
        pltpu.sync_copy(
            rec_v, shared.at[pl.ds(lax.rem(i + 1, 2) * half + t * _STR, 16)])
        plsc.subcore_barrier()
        return carry

    lax.fori_loop(0, _NUM - 1, fps_iter, 0)

    bx, by, bz, bw = read_winner((_NUM - 1) % 2)
    emit(_NUM - 1, bx, by, bz, bw)

    @pl.when(t == 0)
    def _():
        pltpu.sync_copy(o0_v, out_hbm.at[0])
        pltpu.sync_copy(o1_v, out_hbm.at[1])
        pltpu.sync_copy(o2_v, out_hbm.at[2])
        pltpu.sync_copy(o3_v, out_hbm.at[3])


@functools.partial(
    pl.kernel,
    out_type=jax.ShapeDtypeStruct((4, _NUM), jnp.float32),
    mesh=plsc.VectorSubcoreMesh(core_axis_name="c", subcore_axis_name="s",
                                num_cores=1, num_subcores=_NT),
    compiler_params=pltpu.CompilerParams(needs_layout_passes=False),
    scratch_types=[
        pltpu.VMEM((_PPAD,), jnp.float32),
        pltpu.VMEM((_PPAD,), jnp.float32),
        pltpu.VMEM((_PPAD,), jnp.float32),
        pltpu.VMEM((_PPAD,), jnp.float32),
        pltpu.VMEM((_PPAD,), jnp.float32),
        pltpu.VMEM((16,), jnp.float32),
        pltpu.VMEM((_NT * _STR,), jnp.float32),
        pltpu.VMEM((_NUM,), jnp.float32),
        pltpu.VMEM((_NUM,), jnp.float32),
        pltpu.VMEM((_NUM,), jnp.float32),
        pltpu.VMEM((_NUM,), jnp.float32),
        pltpu.VMEM_SHARED((2 * _NT * _STR,), jnp.float32),
    ],
)
def _fps_sc(x_hbm, y_hbm, z_hbm, w_hbm, out_hbm, *scratch):
    _sc_body(x_hbm, y_hbm, z_hbm, w_hbm, out_hbm, *scratch)


def kernel(pcd):
    xyz = pcd[:, :3]
    xyz = xyz - jnp.mean(xyz, axis=0, keepdims=True)
    dis = jnp.linalg.norm(xyz, axis=1)
    max_dis = jnp.max(dis)
    xyz = xyz / max_dis
    pcdn = pcd.at[:, :3].set(xyz)

    chans = pcdn.T.reshape(4, _NT, _PPT)
    chans = jnp.pad(chans, ((0, 0), (0, 0), (0, _PPAD - _PPT)))
    return _fps_sc(chans[0], chans[1], chans[2], chans[3])

# --- scband reference (transcript-rebuilt; emitter-appended) ---
"""Pipeline reference for scband-pcdpretreatment-88235808129103 (READ-ONLY COPY).

The authoritative reference and input builder live on the scoring server;
editing this copy changes nothing except your own understanding.
"""

import jax, jax.numpy as jnp
import numpy as np

NUM = 2048


def farthest_point_sample(xyz, npoint):
    # xyz: (N, 3). Deterministic start at index 0.
    N = xyz.shape[0]

    def body(i, state):
        dist_min, farthest, idxs = state
        idxs = idxs.at[i].set(farthest)
        centroid = xyz[farthest]
        d = jnp.sum((xyz - centroid) ** 2, axis=1)
        dist_min = jnp.minimum(dist_min, d)
        farthest = jnp.argmax(dist_min).astype(jnp.int32)
        return (dist_min, farthest, idxs)

    init = (jnp.full((N,), jnp.inf, dtype=xyz.dtype),
            jnp.int32(0),
            jnp.zeros((npoint,), dtype=jnp.int32))
    _, _, idxs = jax.lax.fori_loop(0, npoint, body, init)
    return idxs


def setup_inputs(seed: int = 0) -> dict:
    key = jax.random.key(seed)
    pcd = jax.random.normal(key, (20000, 4), dtype=jnp.float32)
    return {"pcd": pcd}


def reference(pcd):
    # normalize xyz: center and scale by max radius
    xyz = pcd[:, :3]
    xyz = xyz - jnp.mean(xyz, axis=0, keepdims=True)
    dis = jnp.linalg.norm(xyz, axis=1)
    max_dis = jnp.max(dis)
    xyz = xyz / max_dis
    # normal=True: write normalized xyz back, keep extra channels
    pcd = pcd.at[:, :3].set(xyz)
    # N (20000) > num (2048): farthest point sampling downsample
    sample_ids = farthest_point_sample(pcd[:, :3], NUM)
    pcd = jnp.take(pcd, sample_ids, axis=0)
    # mode != 'train': no data augmentation; return transposed (C, num)
    return pcd.T

if __name__ == "__main__":
    import jax
    _d = setup_inputs()
    print(jax.jit(kernel)(*tuple(_d.values())))

</pallas_src>

<mosaic_0001>
#map = affine_map<(d0, d1) -> (0, 0)>
module attributes {stable_mosaic.version = 14 : i64} {
  func.func @_fps_sc(%arg0: i32, %arg1: i32, %arg2: memref<16x1264xf32, #tpu.memory_space<hbm>>, %arg3: memref<16x1264xf32, #tpu.memory_space<hbm>>, %arg4: memref<16x1264xf32, #tpu.memory_space<hbm>>, %arg5: memref<16x1264xf32, #tpu.memory_space<hbm>>, %arg6: memref<4x2048xf32, #tpu.memory_space<hbm>>, %arg7: memref<1264xf32, #tpu.memory_space<vmem>>, %arg8: memref<1264xf32, #tpu.memory_space<vmem>>, %arg9: memref<1264xf32, #tpu.memory_space<vmem>>, %arg10: memref<1264xf32, #tpu.memory_space<vmem>>, %arg11: memref<1264xf32, #tpu.memory_space<vmem>>, %arg12: memref<16xf32, #tpu.memory_space<vmem>>, %arg13: memref<1024xf32, #tpu.memory_space<vmem>>, %arg14: memref<2048xf32, #tpu.memory_space<vmem>>, %arg15: memref<2048xf32, #tpu.memory_space<vmem>>, %arg16: memref<2048xf32, #tpu.memory_space<vmem>>, %arg17: memref<2048xf32, #tpu.memory_space<vmem>>, %arg18: memref<2048xf32, #tpu.memory_space<vmem_shared>>) attributes {dimension_semantics = [#tpu.dimension_semantics<core_parallel>, #tpu.dimension_semantics<subcore_parallel>], iteration_bounds = array<i64: 1, 16>, scalar_prefetch = 0 : i64, scratch_operands = 12 : i64, tpu.core_type = #tpu.core_type<sc_vector_subcore>, window_params = [{transform_indices = #map}, {transform_indices = #map}, {transform_indices = #map}, {transform_indices = #map}, {transform_indices = #map}]} {
    %iota3A = tpu.iota {dimensions = array<i32: 0>} : vector<16xi32>
    "tpu.region"() ({
      %run_scoped3A = tpu.sem_alloc : memref<!tpu.dma_semaphore, #tpu.memory_space<semaphore_mem>>
      %dma_start3A = arith.constant 0 : i32
      %dma_start3A_189 = tpu.memref_slice %arg2[%arg1, %dma_start3A] : memref<16x1264xf32, #tpu.memory_space<hbm>> -> memref<1x1264xf32, #tpu.memory_space<hbm>>
      %dma_start3A_190 = tpu.memref_squeeze %dma_start3A_189 : memref<1x1264xf32, #tpu.memory_space<hbm>> -> memref<1264xf32, #tpu.memory_space<hbm>>
      %dma_start3A_191 = arith.constant 0 : i32
      %dma_start3A_192 = tpu.memref_slice %arg2[%arg1, %dma_start3A_191] : memref<16x1264xf32, #tpu.memory_space<hbm>> -> memref<1x1264xf32, #tpu.memory_space<hbm>>
      %dma_start3A_193 = tpu.memref_squeeze %dma_start3A_192 : memref<1x1264xf32, #tpu.memory_space<hbm>> -> memref<1264xf32, #tpu.memory_space<hbm>>
      tpu.enqueue_dma source(%dma_start3A_193 : memref<1264xf32, #tpu.memory_space<hbm>>) target(%arg7 : memref<1264xf32, #tpu.memory_space<vmem>>) target_semaphore(%run_scoped3A : memref<!tpu.dma_semaphore, #tpu.memory_space<semaphore_mem>>)
      %dma_wait3A = arith.constant 0 : i32
      %dma_wait3A_194 = tpu.memref_slice %arg2[%arg1, %dma_wait3A] : memref<16x1264xf32, #tpu.memory_space<hbm>> -> memref<1x1264xf32, #tpu.memory_space<hbm>>
      %dma_wait3A_195 = tpu.memref_squeeze %dma_wait3A_194 : memref<1x1264xf32, #tpu.memory_space<hbm>> -> memref<1264xf32, #tpu.memory_space<hbm>>
      %dma_wait3A_196 = arith.constant 0 : i32
      %dma_wait3A_197 = tpu.memref_slice %arg2[%arg1, %dma_wait3A_196] : memref<16x1264xf32, #tpu.memory_space<hbm>> -> memref<1x1264xf32, #tpu.memory_space<hbm>>
      %dma_wait3A_198 = tpu.memref_squeeze %dma_wait3A_197 : memref<1x1264xf32, #tpu.memory_space<hbm>> -> memref<1264xf32, #tpu.memory_space<hbm>>
      tpu.wait_dma2 semaphore(%run_scoped3A : memref<!tpu.dma_semaphore, #tpu.memory_space<semaphore_mem>>) src(%dma_wait3A_198 : memref<1264xf32, #tpu.memory_space<hbm>>) dst(%arg7 : memref<1264xf32, #tpu.memory_space<vmem>>)
      tpu.yield
    }) : () -> ()
    "tpu.region"() ({
      %run_scoped3A = tpu.sem_alloc : memref<!tpu.dma_semaphore, #tpu.memory_space<semaphore_mem>>
      %dma_start3A = arith.constant 0 : i32
      %dma_start3A_189 = tpu.memref_slice %arg3[%arg1, %dma_start3A] : memref<16x1264xf32, #tpu.memory_space<hbm>> -> memref<1x1264xf32, #tpu.memory_space<hbm>>
      %dma_start3A_190 = tpu.memref_squeeze %dma_start3A_189 : memref<1x1264xf32, #tpu.memory_space<hbm>> -> memref<1264xf32, #tpu.memory_space<hbm>>
      %dma_start3A_191 = arith.constant 0 : i32
      %dma_start3A_192 = tpu.memref_slice %arg3[%arg1, %dma_start3A_191] : memref<16x1264xf32, #tpu.memory_space<hbm>> -> memref<1x1264xf32, #tpu.memory_space<hbm>>
      %dma_start3A_193 = tpu.memref_squeeze %dma_start3A_192 : memref<1x1264xf32, #tpu.memory_space<hbm>> -> memref<1264xf32, #tpu.memory_space<hbm>>
      tpu.enqueue_dma source(%dma_start3A_193 : memref<1264xf32, #tpu.memory_space<hbm>>) target(%arg8 : memref<1264xf32, #tpu.memory_space<vmem>>) target_semaphore(%run_scoped3A : memref<!tpu.dma_semaphore, #tpu.memory_space<semaphore_mem>>)
      %dma_wait3A = arith.constant 0 : i32
      %dma_wait3A_194 = tpu.memref_slice %arg3[%arg1, %dma_wait3A] : memref<16x1264xf32, #tpu.memory_space<hbm>> -> memref<1x1264xf32, #tpu.memory_space<hbm>>
      %dma_wait3A_195 = tpu.memref_squeeze %dma_wait3A_194 : memref<1x1264xf32, #tpu.memory_space<hbm>> -> memref<1264xf32, #tpu.memory_space<hbm>>
      %dma_wait3A_196 = arith.constant 0 : i32
      %dma_wait3A_197 = tpu.memref_slice %arg3[%arg1, %dma_wait3A_196] : memref<16x1264xf32, #tpu.memory_space<hbm>> -> memref<1x1264xf32, #tpu.memory_space<hbm>>
      %dma_wait3A_198 = tpu.memref_squeeze %dma_wait3A_197 : memref<1x1264xf32, #tpu.memory_space<hbm>> -> memref<1264xf32, #tpu.memory_space<hbm>>
      tpu.wait_dma2 semaphore(%run_scoped3A : memref<!tpu.dma_semaphore, #tpu.memory_space<semaphore_mem>>) src(%dma_wait3A_198 : memref<1264xf32, #tpu.memory_space<hbm>>) dst(%arg8 : memref<1264xf32, #tpu.memory_space<vmem>>)
      tpu.yield
    }) : () -> ()
    "tpu.region"() ({
      %run_scoped3A = tpu.sem_alloc : memref<!tpu.dma_semaphore, #tpu.memory_space<semaphore_mem>>
      %dma_start3A = arith.constant 0 : i32
      %dma_start3A_189 = tpu.memref_slice %arg4[%arg1, %dma_start3A] : memref<16x1264xf32, #tpu.memory_space<hbm>> -> memref<1x1264xf32, #tpu.memory_space<hbm>>
      %dma_start3A_190 = tpu.memref_squeeze %dma_start3A_189 : memref<1x1264xf32, #tpu.memory_space<hbm>> -> memref<1264xf32, #tpu.memory_space<hbm>>
      %dma_start3A_191 = arith.constant 0 : i32
      %dma_start3A_192 = tpu.memref_slice %arg4[%arg1, %dma_start3A_191] : memref<16x1264xf32, #tpu.memory_space<hbm>> -> memref<1x1264xf32, #tpu.memory_space<hbm>>
      %dma_start3A_193 = tpu.memref_squeeze %dma_start3A_192 : memref<1x1264xf32, #tpu.memory_space<hbm>> -> memref<1264xf32, #tpu.memory_space<hbm>>
      tpu.enqueue_dma source(%dma_start3A_193 : memref<1264xf32, #tpu.memory_space<hbm>>) target(%arg9 : memref<1264xf32, #tpu.memory_space<vmem>>) target_semaphore(%run_scoped3A : memref<!tpu.dma_semaphore, #tpu.memory_space<semaphore_mem>>)
      %dma_wait3A = arith.constant 0 : i32
      %dma_wait3A_194 = tpu.memref_slice %arg4[%arg1, %dma_wait3A] : memref<16x1264xf32, #tpu.memory_space<hbm>> -> memref<1x1264xf32, #tpu.memory_space<hbm>>
      %dma_wait3A_195 = tpu.memref_squeeze %dma_wait3A_194 : memref<1x1264xf32, #tpu.memory_space<hbm>> -> memref<1264xf32, #tpu.memory_space<hbm>>
      %dma_wait3A_196 = arith.constant 0 : i32
      %dma_wait3A_197 = tpu.memref_slice %arg4[%arg1, %dma_wait3A_196] : memref<16x1264xf32, #tpu.memory_space<hbm>> -> memref<1x1264xf32, #tpu.memory_space<hbm>>
      %dma_wait3A_198 = tpu.memref_squeeze %dma_wait3A_197 : memref<1x1264xf32, #tpu.memory_space<hbm>> -> memref<1264xf32, #tpu.memory_space<hbm>>
      tpu.wait_dma2 semaphore(%run_scoped3A : memref<!tpu.dma_semaphore, #tpu.memory_space<semaphore_mem>>) src(%dma_wait3A_198 : memref<1264xf32, #tpu.memory_space<hbm>>) dst(%arg9 : memref<1264xf32, #tpu.memory_space<vmem>>)
      tpu.yield
    }) : () -> ()
    "tpu.region"() ({
      %run_scoped3A = tpu.sem_alloc : memref<!tpu.dma_semaphore, #tpu.memory_space<semaphore_mem>>
      %dma_start3A = arith.constant 0 : i32
      %dma_start3A_189 = tpu.memref_slice %arg5[%arg1, %dma_start3A] : memref<16x1264xf32, #tpu.memory_space<hbm>> -> memref<1x1264xf32, #tpu.memory_space<hbm>>
      %dma_start3A_190 = tpu.memref_squeeze %dma_start3A_189 : memref<1x1264xf32, #tpu.memory_space<hbm>> -> memref<1264xf32, #tpu.memory_space<hbm>>
      %dma_start3A_191 = arith.constant 0 : i32
      %dma_start3A_192 = tpu.memref_slice %arg5[%arg1, %dma_start3A_191] : memref<16x1264xf32, #tpu.memory_space<hbm>> -> memref<1x1264xf32, #tpu.memory_space<hbm>>
      %dma_start3A_193 = tpu.memref_squeeze %dma_start3A_192 : memref<1x1264xf32, #tpu.memory_space<hbm>> -> memref<1264xf32, #tpu.memory_space<hbm>>
      tpu.enqueue_dma source(%dma_start3A_193 : memref<1264xf32, #tpu.memory_space<hbm>>) target(%arg10 : memref<1264xf32, #tpu.memory_space<vmem>>) target_semaphore(%run_scoped3A : memref<!tpu.dma_semaphore, #tpu.memory_space<semaphore_mem>>)
      %dma_wait3A = arith.constant 0 : i32
      %dma_wait3A_194 = tpu.memref_slice %arg5[%arg1, %dma_wait3A] : memref<16x1264xf32, #tpu.memory_space<hbm>> -> memref<1x1264xf32, #tpu.memory_space<hbm>>
      %dma_wait3A_195 = tpu.memref_squeeze %dma_wait3A_194 : memref<1x1264xf32, #tpu.memory_space<hbm>> -> memref<1264xf32, #tpu.memory_space<hbm>>
      %dma_wait3A_196 = arith.constant 0 : i32
      %dma_wait3A_197 = tpu.memref_slice %arg5[%arg1, %dma_wait3A_196] : memref<16x1264xf32, #tpu.memory_space<hbm>> -> memref<1x1264xf32, #tpu.memory_space<hbm>>
      %dma_wait3A_198 = tpu.memref_squeeze %dma_wait3A_197 : memref<1x1264xf32, #tpu.memory_space<hbm>> -> memref<1264xf32, #tpu.memory_space<hbm>>
      tpu.wait_dma2 semaphore(%run_scoped3A : memref<!tpu.dma_semaphore, #tpu.memory_space<semaphore_mem>>) src(%dma_wait3A_198 : memref<1264xf32, #tpu.memory_space<hbm>>) dst(%arg10 : memref<1264xf32, #tpu.memory_space<vmem>>)
      tpu.yield
    }) : () -> ()
    %scan3A = arith.constant 0 : i32
    %scan3A_0 = arith.constant 0x7F800000 : f32
    %scan3A_1 = arith.constant 0 : i32
    %scan3A_2 = arith.constant 79 : i32
    %scan3A_3 = arith.addi %scan3A_1, %scan3A_2 : i32
    %scan3A_4 = arith.constant 1 : i32
    scf.for %scan3A_189 = %scan3A_1 to %scan3A_3 step %scan3A_4  : i32 {
      %mul3A_190 = arith.constant 16 : i32
      %mul3A_191 = arith.muli %scan3A_189, %mul3A_190 : i32
      %add3A = vector.broadcast %mul3A_191 : i32 to vector<16xi32>
      %add3A_192 = arith.addi %add3A, %iota3A : vector<16xi32>
      %lt3A = arith.constant 1250 : i32
      %lt3A_193 = vector.broadcast %lt3A : i32 to vector<16xi32>
      %lt3A_194 = arith.cmpi slt, %add3A_192, %lt3A_193 : vector<16xi32>
      %neg3A_195 = arith.constant 0.000000e+00 : f32
      %neg3A_196 = arith.subf %neg3A_195, %scan3A_0 : f32
      %broadcast_in_dim3A_197 = vector.broadcast %scan3A_0 : f32 to vector<16xf32>
      %broadcast_in_dim3A_198 = vector.broadcast %neg3A_196 : f32 to vector<16xf32>
      %select_n3A_199 = arith.select %lt3A_194, %broadcast_in_dim3A_197, %broadcast_in_dim3A_198 : vector<16xi1>, vector<16xf32>
      %mul3A_200 = arith.constant 16 : i32
      %mul3A_201 = arith.muli %scan3A_189, %mul3A_200 : i32
      %swap3A_202 = arith.index_cast %mul3A_201 : i32 to index
      %swap3A_203 = tpu.vector_load %arg11[%swap3A_202] {strides = array<i32>} : memref<1264xf32, #tpu.memory_space<vmem>>, vector<16xf32>,
      tpu.vector_store %arg11[%swap3A_202], %select_n3A_199 {strides = array<i32>} : memref<1264xf32, #tpu.memory_space<vmem>>, vector<16xf32>,
    }
    %scan3A_5 = arith.constant 79 : i32
    %eq3A = arith.constant 0 : i32
    %eq3A_6 = arith.cmpi eq, %arg1, %eq3A : i32
    %neg3A = arith.constant 0.000000e+00 : f32
    %neg3A_7 = arith.constant 0x7F800000 : f32
    %neg3A_8 = arith.subf %neg3A, %neg3A_7 : f32
    %jit3A = arith.constant 0x7F800000 : f32
    %select_n3A = arith.select %eq3A_6, %jit3A, %neg3A_8 : f32
    %eq3A_9 = arith.constant 0 : i32
    %eq3A_10 = vector.broadcast %eq3A_9 : i32 to vector<16xi32>
    %eq3A_11 = arith.cmpi eq, %iota3A, %eq3A_10 : vector<16xi32>
    %eq3A_12 = arith.constant 1 : i32
    %eq3A_13 = vector.broadcast %eq3A_12 : i32 to vector<16xi32>
    %eq3A_14 = arith.cmpi eq, %iota3A, %eq3A_13 : vector<16xi32>
    %eq3A_15 = arith.constant 2 : i32
    %eq3A_16 = vector.broadcast %eq3A_15 : i32 to vector<16xi32>
    %eq3A_17 = arith.cmpi eq, %iota3A, %eq3A_16 : vector<16xi32>
    %get3A = arith.constant 0 : index
    %get3A_18 = tpu.vector_load %arg7[%get3A] {strides = array<i32>} : memref<1264xf32, #tpu.memory_space<vmem>>, vector<16xf32>,
    %slice3A = vector.extract_strided_slice %get3A_18 {offsets = [0], sizes = [1], strides = [1]} : vector<16xf32> to vector<1xf32>
    %squeeze3A = vector.extract %slice3A[0] : f32 from vector<1xf32>
    %eq3A_19 = arith.constant 3 : i32
    %eq3A_20 = vector.broadcast %eq3A_19 : i32 to vector<16xi32>
    %eq3A_21 = arith.cmpi eq, %iota3A, %eq3A_20 : vector<16xi32>
    %get3A_22 = arith.constant 0 : index
    %get3A_23 = tpu.vector_load %arg8[%get3A_22] {strides = array<i32>} : memref<1264xf32, #tpu.memory_space<vmem>>, vector<16xf32>,
    %slice3A_24 = vector.extract_strided_slice %get3A_23 {offsets = [0], sizes = [1], strides = [1]} : vector<16xf32> to vector<1xf32>
    %squeeze3A_25 = vector.extract %slice3A_24[0] : f32 from vector<1xf32>
    %eq3A_26 = arith.constant 4 : i32
    %eq3A_27 = vector.broadcast %eq3A_26 : i32 to vector<16xi32>
    %eq3A_28 = arith.cmpi eq, %iota3A, %eq3A_27 : vector<16xi32>
    %get3A_29 = arith.constant 0 : index
    %get3A_30 = tpu.vector_load %arg9[%get3A_29] {strides = array<i32>} : memref<1264xf32, #tpu.memory_space<vmem>>, vector<16xf32>,
    %slice3A_31 = vector.extract_strided_slice %get3A_30 {offsets = [0], sizes = [1], strides = [1]} : vector<16xf32> to vector<1xf32>
    %squeeze3A_32 = vector.extract %slice3A_31[0] : f32 from vector<1xf32>
    %get3A_33 = arith.constant 0 : index
    %get3A_34 = tpu.vector_load %arg10[%get3A_33] {strides = array<i32>} : memref<1264xf32, #tpu.memory_space<vmem>>, vector<16xf32>,
    %slice3A_35 = vector.extract_strided_slice %get3A_34 {offsets = [0], sizes = [1], strides = [1]} : vector<16xf32> to vector<1xf32>
    %squeeze3A_36 = vector.extract %slice3A_35[0] : f32 from vector<1xf32>
    %broadcast_in_dim3A = vector.broadcast %squeeze3A_32 : f32 to vector<16xf32>
    %broadcast_in_dim3A_37 = vector.broadcast %squeeze3A_36 : f32 to vector<16xf32>
    %select_n3A_38 = arith.select %eq3A_28, %broadcast_in_dim3A, %broadcast_in_dim3A_37 : vector<16xi1>, vector<16xf32>
    %broadcast_in_dim3A_39 = vector.broadcast %squeeze3A_25 : f32 to vector<16xf32>
    %select_n3A_40 = arith.select %eq3A_21, %broadcast_in_dim3A_39, %select_n3A_38 : vector<16xi1>, vector<16xf32>
    %broadcast_in_dim3A_41 = vector.broadcast %squeeze3A : f32 to vector<16xf32>
    %select_n3A_42 = arith.select %eq3A_17, %broadcast_in_dim3A_41, %select_n3A_40 : vector<16xi1>, vector<16xf32>
    %jit3A_43 = arith.constant 0.000000e+00 : f32
    %broadcast_in_dim3A_44 = vector.broadcast %jit3A_43 : f32 to vector<16xf32>
    %select_n3A_45 = arith.select %eq3A_14, %broadcast_in_dim3A_44, %select_n3A_42 : vector<16xi1>, vector<16xf32>
    %broadcast_in_dim3A_46 = vector.broadcast %select_n3A : f32 to vector<16xf32>
    %select_n3A_47 = arith.select %eq3A_11, %broadcast_in_dim3A_46, %select_n3A_45 : vector<16xi1>, vector<16xf32>
    %swap3A = arith.constant 0 : index
    %swap3A_48 = tpu.vector_load %arg12[%swap3A] {strides = array<i32>} : memref<16xf32, #tpu.memory_space<vmem>>, vector<16xf32>,
    tpu.vector_store %arg12[%swap3A], %select_n3A_47 {strides = array<i32>} : memref<16xf32, #tpu.memory_space<vmem>>, vector<16xf32>,
    %mul3A = arith.constant 64 : i32
    %mul3A_49 = arith.muli %arg1, %mul3A : i32
    "tpu.region"() ({
      %run_scoped3A = tpu.sem_alloc : memref<!tpu.dma_semaphore, #tpu.memory_space<semaphore_mem>>
      %dma_start3A = tpu.memref_slice %arg18[%mul3A_49] : memref<2048xf32, #tpu.memory_space<vmem_shared>> -> memref<16xf32, #tpu.memory_space<vmem_shared>>
      %dma_start3A_189 = tpu.memref_slice %arg18[%mul3A_49] : memref<2048xf32, #tpu.memory_space<vmem_shared>> -> memref<16xf32, #tpu.memory_space<vmem_shared>>
      tpu.enqueue_dma source(%arg12 : memref<16xf32, #tpu.memory_space<vmem>>) target(%dma_start3A_189 : memref<16xf32, #tpu.memory_space<vmem_shared>>) target_semaphore(%run_scoped3A : memref<!tpu.dma_semaphore, #tpu.memory_space<semaphore_mem>>)
      %dma_wait3A = tpu.memref_slice %arg18[%mul3A_49] : memref<2048xf32, #tpu.memory_space<vmem_shared>> -> memref<16xf32, #tpu.memory_space<vmem_shared>>
      %dma_wait3A_190 = tpu.memref_slice %arg18[%mul3A_49] : memref<2048xf32, #tpu.memory_space<vmem_shared>> -> memref<16xf32, #tpu.memory_space<vmem_shared>>
      tpu.wait_dma2 semaphore(%run_scoped3A : memref<!tpu.dma_semaphore, #tpu.memory_space<semaphore_mem>>) src(%arg12 : memref<16xf32, #tpu.memory_space<vmem>>) dst(%dma_wait3A_190 : memref<16xf32, #tpu.memory_space<vmem_shared>>)
      tpu.yield
    }) : () -> ()
    %barrier3A = arith.constant 0 : index
    tpu.barrier barrier_id(%barrier3A)
    %mul3A_50 = arith.constant 1250 : i32
    %mul3A_51 = arith.muli %arg1, %mul3A_50 : i32
    %convert_element_type3A = arith.sitofp %mul3A_51 : i32 to f32
    %eq3A_52 = arith.constant 0 : i32
    %eq3A_53 = vector.broadcast %eq3A_52 : i32 to vector<16xi32>
    %eq3A_54 = arith.cmpi eq, %iota3A, %eq3A_53 : vector<16xi32>
    %scan3A_55 = arith.constant 0 : i32
    %scan3A_56 = arith.constant 0x7F800000 : f32
    %scan3A_57 = arith.constant 3.000000e+38 : f32
    %scan3A_58 = arith.constant 0 : i32
    %scan3A_59 = arith.constant 2047 : i32
    %scan3A_60 = arith.addi %scan3A_58, %scan3A_59 : i32
    %scan3A_61 = arith.constant 1 : i32
    scf.for %scan3A_189 = %scan3A_58 to %scan3A_60 step %scan3A_61  : i32 {
      %rem3A = arith.constant 2 : i32
      %rem3A_190 = arith.remsi %scan3A_189, %rem3A : i32
      %mul3A_191 = arith.constant 1024 : i32
      %mul3A_192 = arith.muli %rem3A_190, %mul3A_191 : i32
      "tpu.region"() ({
        %run_scoped3A = tpu.sem_alloc : memref<!tpu.dma_semaphore, #tpu.memory_space<semaphore_mem>>
        %dma_start3A = tpu.memref_slice %arg18[%mul3A_192] : memref<2048xf32, #tpu.memory_space<vmem_shared>> -> memref<1024xf32, #tpu.memory_space<vmem_shared>>
        %dma_start3A_379 = tpu.memref_slice %arg18[%mul3A_192] : memref<2048xf32, #tpu.memory_space<vmem_shared>> -> memref<1024xf32, #tpu.memory_space<vmem_shared>>
        tpu.enqueue_dma source(%dma_start3A_379 : memref<1024xf32, #tpu.memory_space<vmem_shared>>) target(%arg13 : memref<1024xf32, #tpu.memory_space<vmem>>) target_semaphore(%run_scoped3A : memref<!tpu.dma_semaphore, #tpu.memory_space<semaphore_mem>>)
        %dma_wait3A = tpu.memref_slice %arg18[%mul3A_192] : memref<2048xf32, #tpu.memory_space<vmem_shared>> -> memref<1024xf32, #tpu.memory_space<vmem_shared>>
        %dma_wait3A_380 = tpu.memref_slice %arg18[%mul3A_192] : memref<2048xf32, #tpu.memory_space<vmem_shared>> -> memref<1024xf32, #tpu.memory_space<vmem_shared>>
        tpu.wait_dma2 semaphore(%run_scoped3A : memref<!tpu.dma_semaphore, #tpu.memory_space<semaphore_mem>>) src(%dma_wait3A_380 : memref<1024xf32, #tpu.memory_space<vmem_shared>>) dst(%arg13 : memref<1024xf32, #tpu.memory_space<vmem>>)
        tpu.yield
      }) : () -> ()
      %get3A_193 = arith.constant 0 : index
      %get3A_194 = tpu.vector_load %arg13[%get3A_193] {strides = array<i32>} : memref<1024xf32, #tpu.memory_space<vmem>>, vector<16xf32>,
      %slice3A_195 = vector.extract_strided_slice %get3A_194 {offsets = [0], sizes = [1], strides = [1]} : vector<16xf32> to vector<1xf32>
      %squeeze3A_196 = vector.extract %slice3A_195[0] : f32 from vector<1xf32>
      %get3A_197 = arith.constant 64 : index
      %get3A_198 = tpu.vector_load %arg13[%get3A_197] {strides = array<i32>} : memref<1024xf32, #tpu.memory_space<vmem>>, vector<16xf32>,
      %slice3A_199 = vector.extract_strided_slice %get3A_198 {offsets = [0], sizes = [1], strides = [1]} : vector<16xf32> to vector<1xf32>
      %squeeze3A_200 = vector.extract %slice3A_199[0] : f32 from vector<1xf32>
      %gt3A_201 = arith.cmpf ogt, %squeeze3A_200, %squeeze3A_196 : f32
      %select_n3A_202 = arith.select %gt3A_201, %squeeze3A_200, %squeeze3A_196 : f32
      %select_n3A_203 = arith.select %gt3A_201, %get3A_198, %get3A_194 : vector<16xf32>
      %get3A_204 = arith.constant 128 : index
      %get3A_205 = tpu.vector_load %arg13[%get3A_204] {strides = array<i32>} : memref<1024xf32, #tpu.memory_space<vmem>>, vector<16xf32>,
      %slice3A_206 = vector.extract_strided_slice %get3A_205 {offsets = [0], sizes = [1], strides = [1]} : vector<16xf32> to vector<1xf32>
      %squeeze3A_207 = vector.extract %slice3A_206[0] : f32 from vector<1xf32>
      %gt3A_208 = arith.cmpf ogt, %squeeze3A_207, %select_n3A_202 : f32
      %select_n3A_209 = arith.select %gt3A_208, %squeeze3A_207, %select_n3A_202 : f32
      %select_n3A_210 = arith.select %gt3A_208, %get3A_205, %select_n3A_203 : vector<16xf32>
      %get3A_211 = arith.constant 192 : index
      %get3A_212 = tpu.vector_load %arg13[%get3A_211] {strides = array<i32>} : memref<1024xf32, #tpu.memory_space<vmem>>, vector<16xf32>,
      %slice3A_213 = vector.extract_strided_slice %get3A_212 {offsets = [0], sizes = [1], strides = [1]} : vector<16xf32> to vector<1xf32>
      %squeeze3A_214 = vector.extract %slice3A_213[0] : f32 from vector<1xf32>
      %gt3A_215 = arith.cmpf ogt, %squeeze3A_214, %select_n3A_209 : f32
      %select_n3A_216 = arith.select %gt3A_215, %squeeze3A_214, %select_n3A_209 : f32
      %select_n3A_217 = arith.select %gt3A_215, %get3A_212, %select_n3A_210 : vector<16xf32>
      %get3A_218 = arith.constant 256 : index
      %get3A_219 = tpu.vector_load %arg13[%get3A_218] {strides = array<i32>} : memref<1024xf32, #tpu.memory_space<vmem>>, vector<16xf32>,
      %slice3A_220 = vector.extract_strided_slice %get3A_219 {offsets = [0], sizes = [1], strides = [1]} : vector<16xf32> to vector<1xf32>
      %squeeze3A_221 = vector.extract %slice3A_220[0] : f32 from vector<1xf32>
      %gt3A_222 = arith.cmpf ogt, %squeeze3A_221, %select_n3A_216 : f32
      %select_n3A_223 = arith.select %gt3A_222, %squeeze3A_221, %select_n3A_216 : f32
      %select_n3A_224 = arith.select %gt3A_222, %get3A_219, %select_n3A_217 : vector<16xf32>
      %get3A_225 = arith.constant 320 : index
      %get3A_226 = tpu.vector_load %arg13[%get3A_225] {strides = array<i32>} : memref<1024xf32, #tpu.memory_space<vmem>>, vector<16xf32>,
      %slice3A_227 = vector.extract_strided_slice %get3A_226 {offsets = [0], sizes = [1], strides = [1]} : vector<16xf32> to vector<1xf32>
      %squeeze3A_228 = vector.extract %slice3A_227[0] : f32 from vector<1xf32>
      %gt3A_229 = arith.cmpf ogt, %squeeze3A_228, %select_n3A_223 : f32
      %select_n3A_230 = arith.select %gt3A_229, %squeeze3A_228, %select_n3A_223 : f32
      %select_n3A_231 = arith.select %gt3A_229, %get3A_226, %select_n3A_224 : vector<16xf32>
      %get3A_232 = arith.constant 384 : index
      %get3A_233 = tpu.vector_load %arg13[%get3A_232] {strides = array<i32>} : memref<1024xf32, #tpu.memory_space<vmem>>, vector<16xf32>,
      %slice3A_234 = vector.extract_strided_slice %get3A_233 {offsets = [0], sizes = [1], strides = [1]} : vector<16xf32> to vector<1xf32>
      %squeeze3A_235 = vector.extract %slice3A_234[0] : f32 from vector<1xf32>
      %gt3A_236 = arith.cmpf ogt, %squeeze3A_235, %select_n3A_230 : f32
      %select_n3A_237 = arith.select %gt3A_236, %squeeze3A_235, %select_n3A_230 : f32
      %select_n3A_238 = arith.select %gt3A_236, %get3A_233, %select_n3A_231 : vector<16xf32>
      %get3A_239 = arith.constant 448 : index
      %get3A_240 = tpu.vector_load %arg13[%get3A_239] {strides = array<i32>} : memref<1024xf32, #tpu.memory_space<vmem>>, vector<16xf32>,
      %slice3A_241 = vector.extract_strided_slice %get3A_240 {offsets = [0], sizes = [1], strides = [1]} : vector<16xf32> to vector<1xf32>
      %squeeze3A_242 = vector.extract %slice3A_241[0] : f32 from vector<1xf32>
      %gt3A_243 = arith.cmpf ogt, %squeeze3A_242, %select_n3A_237 : f32
      %select_n3A_244 = arith.select %gt3A_243, %squeeze3A_242, %select_n3A_237 : f32
      %select_n3A_245 = arith.select %gt3A_243, %get3A_240, %select_n3A_238 : vector<16xf32>
      %get3A_246 = arith.constant 512 : index
      %get3A_247 = tpu.vector_load %arg13[%get3A_246] {strides = array<i32>} : memref<1024xf32, #tpu.memory_space<vmem>>, vector<16xf32>,
      %slice3A_248 = vector.extract_strided_slice %get3A_247 {offsets = [0], sizes = [1], strides = [1]} : vector<16xf32> to vector<1xf32>
      %squeeze3A_249 = vector.extract %slice3A_248[0] : f32 from vector<1xf32>
      %gt3A_250 = arith.cmpf ogt, %squeeze3A_249, %select_n3A_244 : f32
      %select_n3A_251 = arith.select %gt3A_250, %squeeze3A_249, %select_n3A_244 : f32
      %select_n3A_252 = arith.select %gt3A_250, %get3A_247, %select_n3A_245 : vector<16xf32>
      %get3A_253 = arith.constant 576 : index
      %get3A_254 = tpu.vector_load %arg13[%get3A_253] {strides = array<i32>} : memref<1024xf32, #tpu.memory_space<vmem>>, vector<16xf32>,
      %slice3A_255 = vector.extract_strided_slice %get3A_254 {offsets = [0], sizes = [1], strides = [1]} : vector<16xf32> to vector<1xf32>
      %squeeze3A_256 = vector.extract %slice3A_255[0] : f32 from vector<1xf32>
      %gt3A_257 = arith.cmpf ogt, %squeeze3A_256, %select_n3A_251 : f32
      %select_n3A_258 = arith.select %gt3A_257, %squeeze3A_256, %select_n3A_251 : f32
      %select_n3A_259 = arith.select %gt3A_257, %get3A_254, %select_n3A_252 : vector<16xf32>
      %get3A_260 = arith.constant 640 : index
      %get3A_261 = tpu.vector_load %arg13[%get3A_260] {strides = array<i32>} : memref<1024xf32, #tpu.memory_space<vmem>>, vector<16xf32>,
      %slice3A_262 = vector.extract_strided_slice %get3A_261 {offsets = [0], sizes = [1], strides = [1]} : vector<16xf32> to vector<1xf32>
      %squeeze3A_263 = vector.extract %slice3A_262[0] : f32 from vector<1xf32>
      %gt3A_264 = arith.cmpf ogt, %squeeze3A_263, %select_n3A_258 : f32
      %select_n3A_265 = arith.select %gt3A_264, %squeeze3A_263, %select_n3A_258 : f32
      %select_n3A_266 = arith.select %gt3A_264, %get3A_261, %select_n3A_259 : vector<16xf32>
      %get3A_267 = arith.constant 704 : index
      %get3A_268 = tpu.vector_load %arg13[%get3A_267] {strides = array<i32>} : memref<1024xf32, #tpu.memory_space<vmem>>, vector<16xf32>,
      %slice3A_269 = vector.extract_strided_slice %get3A_268 {offsets = [0], sizes = [1], strides = [1]} : vector<16xf32> to vector<1xf32>
      %squeeze3A_270 = vector.extract %slice3A_269[0] : f32 from vector<1xf32>
      %gt3A_271 = arith.cmpf ogt, %squeeze3A_270, %select_n3A_265 : f32
      %select_n3A_272 = arith.select %gt3A_271, %squeeze3A_270, %select_n3A_265 : f32
      %select_n3A_273 = arith.select %gt3A_271, %get3A_268, %select_n3A_266 : vector<16xf32>
      %get3A_274 = arith.constant 768 : index
      %get3A_275 = tpu.vector_load %arg13[%get3A_274] {strides = array<i32>} : memref<1024xf32, #tpu.memory_space<vmem>>, vector<16xf32>,
      %slice3A_276 = vector.extract_strided_slice %get3A_275 {offsets = [0], sizes = [1], strides = [1]} : vector<16xf32> to vector<1xf32>
      %squeeze3A_277 = vector.extract %slice3A_276[0] : f32 from vector<1xf32>
      %gt3A_278 = arith.cmpf ogt, %squeeze3A_277, %select_n3A_272 : f32
      %select_n3A_279 = arith.select %gt3A_278, %squeeze3A_277, %select_n3A_272 : f32
      %select_n3A_280 = arith.select %gt3A_278, %get3A_275, %select_n3A_273 : vector<16xf32>
      %get3A_281 = arith.constant 832 : index
      %get3A_282 = tpu.vector_load %arg13[%get3A_281] {strides = array<i32>} : memref<1024xf32, #tpu.memory_space<vmem>>, vector<16xf32>,
      %slice3A_283 = vector.extract_strided_slice %get3A_282 {offsets = [0], sizes = [1], strides = [1]} : vector<16xf32> to vector<1xf32>
      %squeeze3A_284 = vector.extract %slice3A_283[0] : f32 from vector<1xf32>
      %gt3A_285 = arith.cmpf ogt, %squeeze3A_284, %select_n3A_279 : f32
      %select_n3A_286 = arith.select %gt3A_285, %squeeze3A_284, %select_n3A_279 : f32
      %select_n3A_287 = arith.select %gt3A_285, %get3A_282, %select_n3A_280 : vector<16xf32>
      %get3A_288 = arith.constant 896 : index
      %get3A_289 = tpu.vector_load %arg13[%get3A_288] {strides = array<i32>} : memref<1024xf32, #tpu.memory_space<vmem>>, vector<16xf32>,
      %slice3A_290 = vector.extract_strided_slice %get3A_289 {offsets = [0], sizes = [1], strides = [1]} : vector<16xf32> to vector<1xf32>
      %squeeze3A_291 = vector.extract %slice3A_290[0] : f32 from vector<1xf32>
      %gt3A_292 = arith.cmpf ogt, %squeeze3A_291, %select_n3A_286 : f32
      %select_n3A_293 = arith.select %gt3A_292, %squeeze3A_291, %select_n3A_286 : f32
      %select_n3A_294 = arith.select %gt3A_292, %get3A_289, %select_n3A_287 : vector<16xf32>
      %get3A_295 = arith.constant 960 : index
      %get3A_296 = tpu.vector_load %arg13[%get3A_295] {strides = array<i32>} : memref<1024xf32, #tpu.memory_space<vmem>>, vector<16xf32>,
      %slice3A_297 = vector.extract_strided_slice %get3A_296 {offsets = [0], sizes = [1], strides = [1]} : vector<16xf32> to vector<1xf32>
      %squeeze3A_298 = vector.extract %slice3A_297[0] : f32 from vector<1xf32>
      %gt3A_299 = arith.cmpf ogt, %squeeze3A_298, %select_n3A_293 : f32
      %select_n3A_300 = arith.select %gt3A_299, %squeeze3A_298, %select_n3A_293 : f32
      %select_n3A_301 = arith.select %gt3A_299, %get3A_296, %select_n3A_294 : vector<16xf32>
      %slice3A_302 = vector.extract_strided_slice %select_n3A_301 {offsets = [2], sizes = [1], strides = [1]} : vector<16xf32> to vector<1xf32>
      %squeeze3A_303 = vector.extract %slice3A_302[0] : f32 from vector<1xf32>
      %slice3A_304 = vector.extract_strided_slice %select_n3A_301 {offsets = [3], sizes = [1], strides = [1]} : vector<16xf32> to vector<1xf32>
      %squeeze3A_305 = vector.extract %slice3A_304[0] : f32 from vector<1xf32>
      %slice3A_306 = vector.extract_strided_slice %select_n3A_301 {offsets = [4], sizes = [1], strides = [1]} : vector<16xf32> to vector<1xf32>
      %squeeze3A_307 = vector.extract %slice3A_306[0] : f32 from vector<1xf32>
      %slice3A_308 = vector.extract_strided_slice %select_n3A_301 {offsets = [5], sizes = [1], strides = [1]} : vector<16xf32> to vector<1xf32>
      %squeeze3A_309 = vector.extract %slice3A_308[0] : f32 from vector<1xf32>
      %broadcast_in_dim3A_310 = vector.broadcast %scan3A_189 : i32 to vector<16xi32>
      %broadcast_in_dim3A_311 = vector.broadcast %squeeze3A_303 : f32 to vector<16xf32>
      tpu.vector_store_idx %arg14[%broadcast_in_dim3A_310], %broadcast_in_dim3A_311 masked %eq3A_54 : memref<2048xf32, #tpu.memory_space<vmem>>[vector<16xi32>], vector<16xf32>, vector<16xi1>
      %broadcast_in_dim3A_312 = vector.broadcast %squeeze3A_305 : f32 to vector<16xf32>
      tpu.vector_store_idx %arg15[%broadcast_in_dim3A_310], %broadcast_in_dim3A_312 masked %eq3A_54 : memref<2048xf32, #tpu.memory_space<vmem>>[vector<16xi32>], vector<16xf32>, vector<16xi1>
      %broadcast_in_dim3A_313 = vector.broadcast %squeeze3A_307 : f32 to vector<16xf32>
      tpu.vector_store_idx %arg16[%broadcast_in_dim3A_310], %broadcast_in_dim3A_313 masked %eq3A_54 : memref<2048xf32, #tpu.memory_space<vmem>>[vector<16xi32>], vector<16xf32>, vector<16xi1>
      %broadcast_in_dim3A_314 = vector.broadcast %squeeze3A_309 : f32 to vector<16xf32>
      tpu.vector_store_idx %arg17[%broadcast_in_dim3A_310], %broadcast_in_dim3A_314 masked %eq3A_54 : memref<2048xf32, #tpu.memory_space<vmem>>[vector<16xi32>], vector<16xf32>, vector<16xi1>
      %neg3A_315 = arith.constant 0.000000e+00 : f32
      %neg3A_316 = arith.subf %neg3A_315, %scan3A_56 : f32
      %broadcast_in_dim3A_317 = vector.broadcast %neg3A_316 : f32 to vector<16xf32>
      %broadcast_in_dim3A_318 = vector.broadcast %scan3A_57 : f32 to vector<16xf32>
      %scan3A_319 = arith.constant 0 : i32
      %scan3A_320 = arith.constant 79 : i32
      %scan3A_321 = arith.addi %scan3A_319, %scan3A_320 : i32
      %scan3A_322 = arith.constant 1 : i32
      %scan3A_323:2 = scf.for %scan3A_379 = %scan3A_319 to %scan3A_321 step %scan3A_322 iter_args(%scan3A_380 = %broadcast_in_dim3A_317, %scan3A_381 = %broadcast_in_dim3A_318) -> (vector<16xf32>, vector<16xf32>)  : i32 {
        %mul3A_382 = arith.constant 16 : i32
        %mul3A_383 = arith.muli %scan3A_379, %mul3A_382 : i32
        %get3A_384 = arith.index_cast %mul3A_383 : i32 to index
        %get3A_385 = tpu.vector_load %arg7[%get3A_384] {strides = array<i32>} : memref<1264xf32, #tpu.memory_space<vmem>>, vector<16xf32>,
        %get3A_386 = arith.index_cast %mul3A_383 : i32 to index
        %get3A_387 = tpu.vector_load %arg8[%get3A_386] {strides = array<i32>} : memref<1264xf32, #tpu.memory_space<vmem>>, vector<16xf32>,
        %get3A_388 = arith.index_cast %mul3A_383 : i32 to index
        %get3A_389 = tpu.vector_load %arg9[%get3A_388] {strides = array<i32>} : memref<1264xf32, #tpu.memory_space<vmem>>, vector<16xf32>,
        %sub3A_390 = vector.broadcast %squeeze3A_303 : f32 to vector<16xf32>
        %sub3A_391 = arith.subf %get3A_385, %sub3A_390 : vector<16xf32>
        %sub3A_392 = vector.broadcast %squeeze3A_305 : f32 to vector<16xf32>
        %sub3A_393 = arith.subf %get3A_387, %sub3A_392 : vector<16xf32>
        %sub3A_394 = vector.broadcast %squeeze3A_307 : f32 to vector<16xf32>
        %sub3A_395 = arith.subf %get3A_389, %sub3A_394 : vector<16xf32>
        %mul3A_396 = arith.mulf %sub3A_391, %sub3A_391 : vector<16xf32>
        %mul3A_397 = arith.mulf %sub3A_393, %sub3A_393 : vector<16xf32>
        %add3A_398 = arith.addf %mul3A_396, %mul3A_397 : vector<16xf32>
        %mul3A_399 = arith.mulf %sub3A_395, %sub3A_395 : vector<16xf32>
        %add3A_400 = arith.addf %add3A_398, %mul3A_399 : vector<16xf32>
        %get3A_401 = arith.index_cast %mul3A_383 : i32 to index
        %get3A_402 = tpu.vector_load %arg11[%get3A_401] {strides = array<i32>} : memref<1264xf32, #tpu.memory_space<vmem>>, vector<16xf32>,
        %min3A = arith.minimumf %get3A_402, %add3A_400 : vector<16xf32>
        %swap3A_403 = arith.index_cast %mul3A_383 : i32 to index
        %swap3A_404 = tpu.vector_load %arg11[%swap3A_403] {strides = array<i32>} : memref<1264xf32, #tpu.memory_space<vmem>>, vector<16xf32>,
        tpu.vector_store %arg11[%swap3A_403], %min3A {strides = array<i32>} : memref<1264xf32, #tpu.memory_space<vmem>>, vector<16xf32>,
        %add3A_405 = vector.broadcast %mul3A_383 : i32 to vector<16xi32>
        %add3A_406 = arith.addi %add3A_405, %iota3A : vector<16xi32>
        %convert_element_type3A_407 = arith.sitofp %add3A_406 : vector<16xi32> to vector<16xf32>
        %add3A_408 = vector.broadcast %convert_element_type3A : f32 to vector<16xf32>
        %add3A_409 = arith.addf %add3A_408, %convert_element_type3A_407 : vector<16xf32>
        %gt3A_410 = arith.cmpf ogt, %min3A, %scan3A_380 : vector<16xf32>
        %select_n3A_411 = arith.select %gt3A_410, %min3A, %scan3A_380 : vector<16xi1>, vector<16xf32>
        %select_n3A_412 = arith.select %gt3A_410, %add3A_409, %scan3A_381 : vector<16xi1>, vector<16xf32>
        scf.yield %select_n3A_411, %select_n3A_412 : vector<16xf32>, vector<16xf32>
      }
      %scan3A_324 = arith.constant 79 : i32
      %reduce_max3A = arith.constant true
      %reduce_max3A_325 = vector.broadcast %reduce_max3A : i1 to vector<16xi1>
      %reduce_max3A_326 = tpu.scan <max>, %scan3A_323#0 masked %reduce_max3A_325 : vector<16xf32>, vector<16xi1> -> vector<16xf32>
      %reduce_max3A_327 = vector.extract %reduce_max3A_326[15] : f32 from vector<16xf32>
      %eq3A_328 = vector.broadcast %reduce_max3A_327 : f32 to vector<16xf32>
      %eq3A_329 = arith.cmpf oeq, %scan3A_323#0, %eq3A_328 : vector<16xf32>
      %broadcast_in_dim3A_330 = vector.broadcast %scan3A_57 : f32 to vector<16xf32>
      %select_n3A_331 = arith.select %eq3A_329, %scan3A_323#1, %broadcast_in_dim3A_330 : vector<16xi1>, vector<16xf32>
      %reduce_min3A = arith.constant true
      %reduce_min3A_332 = vector.broadcast %reduce_min3A : i1 to vector<16xi1>
      %reduce_min3A_333 = tpu.scan <min>, %select_n3A_331 masked %reduce_min3A_332 : vector<16xf32>, vector<16xi1> -> vector<16xf32>
      %reduce_min3A_334 = vector.extract %reduce_min3A_333[15] : f32 from vector<16xf32>
      %convert_element_type3A_335 = arith.fptosi %reduce_min3A_334 : f32 to i32
      %mul3A_336 = arith.constant 1250 : i32
      %mul3A_337 = arith.muli %arg1, %mul3A_336 : i32
      %sub3A = arith.subi %convert_element_type3A_335, %mul3A_337 : i32
      %lt3A = arith.constant 0 : i32
      %lt3A_338 = arith.cmpi slt, %sub3A, %lt3A : i32
      %ge3A = arith.constant 1264 : i32
      %ge3A_339 = arith.cmpi sge, %sub3A, %ge3A : i32
      %or3A = arith.ori %lt3A_338, %ge3A_339 : i1
      %jit3A_340 = arith.constant 0 : i32
      %select_n3A_341 = arith.select %or3A, %jit3A_340, %sub3A : i32
      %broadcast_in_dim3A_342 = vector.broadcast %select_n3A_341 : i32 to vector<16xi32>
      %gather3A = tpu.vector_load_idx %arg7[%broadcast_in_dim3A_342] : memref<1264xf32, #tpu.memory_space<vmem>>[vector<16xi32>], vector<16xf32>,
      %gather3A_343 = tpu.vector_load_idx %arg8[%broadcast_in_dim3A_342] : memref<1264xf32, #tpu.memory_space<vmem>>[vector<16xi32>], vector<16xf32>,
      %gather3A_344 = tpu.vector_load_idx %arg9[%broadcast_in_dim3A_342] : memref<1264xf32, #tpu.memory_space<vmem>>[vector<16xi32>], vector<16xf32>,
      %gather3A_345 = tpu.vector_load_idx %arg10[%broadcast_in_dim3A_342] : memref<1264xf32, #tpu.memory_space<vmem>>[vector<16xi32>], vector<16xf32>,
      %eq3A_346 = arith.constant 0 : i32
      %eq3A_347 = vector.broadcast %eq3A_346 : i32 to vector<16xi32>
      %eq3A_348 = arith.cmpi eq, %iota3A, %eq3A_347 : vector<16xi32>
      %eq3A_349 = arith.constant 1 : i32
      %eq3A_350 = vector.broadcast %eq3A_349 : i32 to vector<16xi32>
      %eq3A_351 = arith.cmpi eq, %iota3A, %eq3A_350 : vector<16xi32>
      %eq3A_352 = arith.constant 2 : i32
      %eq3A_353 = vector.broadcast %eq3A_352 : i32 to vector<16xi32>
      %eq3A_354 = arith.cmpi eq, %iota3A, %eq3A_353 : vector<16xi32>
      %eq3A_355 = arith.constant 3 : i32
      %eq3A_356 = vector.broadcast %eq3A_355 : i32 to vector<16xi32>
      %eq3A_357 = arith.cmpi eq, %iota3A, %eq3A_356 : vector<16xi32>
      %eq3A_358 = arith.constant 4 : i32
      %eq3A_359 = vector.broadcast %eq3A_358 : i32 to vector<16xi32>
      %eq3A_360 = arith.cmpi eq, %iota3A, %eq3A_359 : vector<16xi32>
      %select_n3A_361 = arith.select %eq3A_360, %gather3A_344, %gather3A_345 : vector<16xi1>, vector<16xf32>
      %select_n3A_362 = arith.select %eq3A_357, %gather3A_343, %select_n3A_361 : vector<16xi1>, vector<16xf32>
      %select_n3A_363 = arith.select %eq3A_354, %gather3A, %select_n3A_362 : vector<16xi1>, vector<16xf32>
      %broadcast_in_dim3A_364 = vector.broadcast %reduce_min3A_334 : f32 to vector<16xf32>
      %select_n3A_365 = arith.select %eq3A_351, %broadcast_in_dim3A_364, %select_n3A_363 : vector<16xi1>, vector<16xf32>
      %broadcast_in_dim3A_366 = vector.broadcast %reduce_max3A_327 : f32 to vector<16xf32>
      %select_n3A_367 = arith.select %eq3A_348, %broadcast_in_dim3A_366, %select_n3A_365 : vector<16xi1>, vector<16xf32>
      %swap3A_368 = arith.constant 0 : index
      %swap3A_369 = tpu.vector_load %arg12[%swap3A_368] {strides = array<i32>} : memref<16xf32, #tpu.memory_space<vmem>>, vector<16xf32>,
      tpu.vector_store %arg12[%swap3A_368], %select_n3A_367 {strides = array<i32>} : memref<16xf32, #tpu.memory_space<vmem>>, vector<16xf32>,
      %add3A = arith.constant 1 : i32
      %add3A_370 = arith.addi %scan3A_189, %add3A : i32
      %rem3A_371 = arith.constant 2 : i32
      %rem3A_372 = arith.remsi %add3A_370, %rem3A_371 : i32
      %mul3A_373 = arith.constant 1024 : i32
      %mul3A_374 = arith.muli %rem3A_372, %mul3A_373 : i32
      %mul3A_375 = arith.constant 64 : i32
      %mul3A_376 = arith.muli %arg1, %mul3A_375 : i32
      %add3A_377 = arith.addi %mul3A_374, %mul3A_376 : i32
      "tpu.region"() ({
        %run_scoped3A = tpu.sem_alloc : memref<!tpu.dma_semaphore, #tpu.memory_space<semaphore_mem>>
        %dma_start3A = tpu.memref_slice %arg18[%add3A_377] : memref<2048xf32, #tpu.memory_space<vmem_shared>> -> memref<16xf32, #tpu.memory_space<vmem_shared>>
        %dma_start3A_379 = tpu.memref_slice %arg18[%add3A_377] : memref<2048xf32, #tpu.memory_space<vmem_shared>> -> memref<16xf32, #tpu.memory_space<vmem_shared>>
        tpu.enqueue_dma source(%arg12 : memref<16xf32, #tpu.memory_space<vmem>>) target(%dma_start3A_379 : memref<16xf32, #tpu.memory_space<vmem_shared>>) target_semaphore(%run_scoped3A : memref<!tpu.dma_semaphore, #tpu.memory_space<semaphore_mem>>)
        %dma_wait3A = tpu.memref_slice %arg18[%add3A_377] : memref<2048xf32, #tpu.memory_space<vmem_shared>> -> memref<16xf32, #tpu.memory_space<vmem_shared>>
        %dma_wait3A_380 = tpu.memref_slice %arg18[%add3A_377] : memref<2048xf32, #tpu.memory_space<vmem_shared>> -> memref<16xf32, #tpu.memory_space<vmem_shared>>
        tpu.wait_dma2 semaphore(%run_scoped3A : memref<!tpu.dma_semaphore, #tpu.memory_space<semaphore_mem>>) src(%arg12 : memref<16xf32, #tpu.memory_space<vmem>>) dst(%dma_wait3A_380 : memref<16xf32, #tpu.memory_space<vmem_shared>>)
        tpu.yield
      }) : () -> ()
      %barrier3A_378 = arith.constant 0 : index
      tpu.barrier barrier_id(%barrier3A_378)
    }
    %scan3A_62 = arith.constant 2047 : i32
    "tpu.region"() ({
      %run_scoped3A = tpu.sem_alloc : memref<!tpu.dma_semaphore, #tpu.memory_space<semaphore_mem>>
      %dma_start3A = arith.constant 1024 : i32
      %dma_start3A_189 = tpu.memref_slice %arg18[%dma_start3A] : memref<2048xf32, #tpu.memory_space<vmem_shared>> -> memref<1024xf32, #tpu.memory_space<vmem_shared>>
      %dma_start3A_190 = arith.constant 1024 : i32
      %dma_start3A_191 = tpu.memref_slice %arg18[%dma_start3A_190] : memref<2048xf32, #tpu.memory_space<vmem_shared>> -> memref<1024xf32, #tpu.memory_space<vmem_shared>>
      tpu.enqueue_dma source(%dma_start3A_191 : memref<1024xf32, #tpu.memory_space<vmem_shared>>) target(%arg13 : memref<1024xf32, #tpu.memory_space<vmem>>) target_semaphore(%run_scoped3A : memref<!tpu.dma_semaphore, #tpu.memory_space<semaphore_mem>>)
      %dma_wait3A = arith.constant 1024 : i32
      %dma_wait3A_192 = tpu.memref_slice %arg18[%dma_wait3A] : memref<2048xf32, #tpu.memory_space<vmem_shared>> -> memref<1024xf32, #tpu.memory_space<vmem_shared>>
      %dma_wait3A_193 = arith.constant 1024 : i32
      %dma_wait3A_194 = tpu.memref_slice %arg18[%dma_wait3A_193] : memref<2048xf32, #tpu.memory_space<vmem_shared>> -> memref<1024xf32, #tpu.memory_space<vmem_shared>>
      tpu.wait_dma2 semaphore(%run_scoped3A : memref<!tpu.dma_semaphore, #tpu.memory_space<semaphore_mem>>) src(%dma_wait3A_194 : memref<1024xf32, #tpu.memory_space<vmem_shared>>) dst(%arg13 : memref<1024xf32, #tpu.memory_space<vmem>>)
      tpu.yield
    }) : () -> ()
    %get3A_63 = arith.constant 0 : index
    %get3A_64 = tpu.vector_load %arg13[%get3A_63] {strides = array<i32>} : memref<1024xf32, #tpu.memory_space<vmem>>, vector<16xf32>,
    %slice3A_65 = vector.extract_strided_slice %get3A_64 {offsets = [0], sizes = [1], strides = [1]} : vector<16xf32> to vector<1xf32>
    %squeeze3A_66 = vector.extract %slice3A_65[0] : f32 from vector<1xf32>
    %get3A_67 = arith.constant 64 : index
    %get3A_68 = tpu.vector_load %arg13[%get3A_67] {strides = array<i32>} : memref<1024xf32, #tpu.memory_space<vmem>>, vector<16xf32>,
    %slice3A_69 = vector.extract_strided_slice %get3A_68 {offsets = [0], sizes = [1], strides = [1]} : vector<16xf32> to vector<1xf32>
    %squeeze3A_70 = vector.extract %slice3A_69[0] : f32 from vector<1xf32>
    %gt3A = arith.cmpf ogt, %squeeze3A_70, %squeeze3A_66 : f32
    %select_n3A_71 = arith.select %gt3A, %squeeze3A_70, %squeeze3A_66 : f32
    %select_n3A_72 = arith.select %gt3A, %get3A_68, %get3A_64 : vector<16xf32>
    %get3A_73 = arith.constant 128 : index
    %get3A_74 = tpu.vector_load %arg13[%get3A_73] {strides = array<i32>} : memref<1024xf32, #tpu.memory_space<vmem>>, vector<16xf32>,
    %slice3A_75 = vector.extract_strided_slice %get3A_74 {offsets = [0], sizes = [1], strides = [1]} : vector<16xf32> to vector<1xf32>
    %squeeze3A_76 = vector.extract %slice3A_75[0] : f32 from vector<1xf32>
    %gt3A_77 = arith.cmpf ogt, %squeeze3A_76, %select_n3A_71 : f32
    %select_n3A_78 = arith.select %gt3A_77, %squeeze3A_76, %select_n3A_71 : f32
    %select_n3A_79 = arith.select %gt3A_77, %get3A_74, %select_n3A_72 : vector<16xf32>
    %get3A_80 = arith.constant 192 : index
    %get3A_81 = tpu.vector_load %arg13[%get3A_80] {strides = array<i32>} : memref<1024xf32, #tpu.memory_space<vmem>>, vector<16xf32>,
    %slice3A_82 = vector.extract_strided_slice %get3A_81 {offsets = [0], sizes = [1], strides = [1]} : vector<16xf32> to vector<1xf32>
    %squeeze3A_83 = vector.extract %slice3A_82[0] : f32 from vector<1xf32>
    %gt3A_84 = arith.cmpf ogt, %squeeze3A_83, %select_n3A_78 : f32
    %select_n3A_85 = arith.select %gt3A_84, %squeeze3A_83, %select_n3A_78 : f32
    %select_n3A_86 = arith.select %gt3A_84, %get3A_81, %select_n3A_79 : vector<16xf32>
    %get3A_87 = arith.constant 256 : index
    %get3A_88 = tpu.vector_load %arg13[%get3A_87] {strides = array<i32>} : memref<1024xf32, #tpu.memory_space<vmem>>, vector<16xf32>,
    %slice3A_89 = vector.extract_strided_slice %get3A_88 {offsets = [0], sizes = [1], strides = [1]} : vector<16xf32> to vector<1xf32>
    %squeeze3A_90 = vector.extract %slice3A_89[0] : f32 from vector<1xf32>
    %gt3A_91 = arith.cmpf ogt, %squeeze3A_90, %select_n3A_85 : f32
    %select_n3A_92 = arith.select %gt3A_91, %squeeze3A_90, %select_n3A_85 : f32
    %select_n3A_93 = arith.select %gt3A_91, %get3A_88, %select_n3A_86 : vector<16xf32>
    %get3A_94 = arith.constant 320 : index
    %get3A_95 = tpu.vector_load %arg13[%get3A_94] {strides = array<i32>} : memref<1024xf32, #tpu.memory_space<vmem>>, vector<16xf32>,
    %slice3A_96 = vector.extract_strided_slice %get3A_95 {offsets = [0], sizes = [1], strides = [1]} : vector<16xf32> to vector<1xf32>
    %squeeze3A_97 = vector.extract %slice3A_96[0] : f32 from vector<1xf32>
    %gt3A_98 = arith.cmpf ogt, %squeeze3A_97, %select_n3A_92 : f32
    %select_n3A_99 = arith.select %gt3A_98, %squeeze3A_97, %select_n3A_92 : f32
    %select_n3A_100 = arith.select %gt3A_98, %get3A_95, %select_n3A_93 : vector<16xf32>
    %get3A_101 = arith.constant 384 : index
    %get3A_102 = tpu.vector_load %arg13[%get3A_101] {strides = array<i32>} : memref<1024xf32, #tpu.memory_space<vmem>>, vector<16xf32>,
    %slice3A_103 = vector.extract_strided_slice %get3A_102 {offsets = [0], sizes = [1], strides = [1]} : vector<16xf32> to vector<1xf32>
    %squeeze3A_104 = vector.extract %slice3A_103[0] : f32 from vector<1xf32>
    %gt3A_105 = arith.cmpf ogt, %squeeze3A_104, %select_n3A_99 : f32
    %select_n3A_106 = arith.select %gt3A_105, %squeeze3A_104, %select_n3A_99 : f32
    %select_n3A_107 = arith.select %gt3A_105, %get3A_102, %select_n3A_100 : vector<16xf32>
    %get3A_108 = arith.constant 448 : index
    %get3A_109 = tpu.vector_load %arg13[%get3A_108] {strides = array<i32>} : memref<1024xf32, #tpu.memory_space<vmem>>, vector<16xf32>,
    %slice3A_110 = vector.extract_strided_slice %get3A_109 {offsets = [0], sizes = [1], strides = [1]} : vector<16xf32> to vector<1xf32>
    %squeeze3A_111 = vector.extract %slice3A_110[0] : f32 from vector<1xf32>
    %gt3A_112 = arith.cmpf ogt, %squeeze3A_111, %select_n3A_106 : f32
    %select_n3A_113 = arith.select %gt3A_112, %squeeze3A_111, %select_n3A_106 : f32
    %select_n3A_114 = arith.select %gt3A_112, %get3A_109, %select_n3A_107 : vector<16xf32>
    %get3A_115 = arith.constant 512 : index
    %get3A_116 = tpu.vector_load %arg13[%get3A_115] {strides = array<i32>} : memref<1024xf32, #tpu.memory_space<vmem>>, vector<16xf32>,
    %slice3A_117 = vector.extract_strided_slice %get3A_116 {offsets = [0], sizes = [1], strides = [1]} : vector<16xf32> to vector<1xf32>
    %squeeze3A_118 = vector.extract %slice3A_117[0] : f32 from vector<1xf32>
    %gt3A_119 = arith.cmpf ogt, %squeeze3A_118, %select_n3A_113 : f32
    %select_n3A_120 = arith.select %gt3A_119, %squeeze3A_118, %select_n3A_113 : f32
    %select_n3A_121 = arith.select %gt3A_119, %get3A_116, %select_n3A_114 : vector<16xf32>
    %get3A_122 = arith.constant 576 : index
    %get3A_123 = tpu.vector_load %arg13[%get3A_122] {strides = array<i32>} : memref<1024xf32, #tpu.memory_space<vmem>>, vector<16xf32>,
    %slice3A_124 = vector.extract_strided_slice %get3A_123 {offsets = [0], sizes = [1], strides = [1]} : vector<16xf32> to vector<1xf32>
    %squeeze3A_125 = vector.extract %slice3A_124[0] : f32 from vector<1xf32>
    %gt3A_126 = arith.cmpf ogt, %squeeze3A_125, %select_n3A_120 : f32
    %select_n3A_127 = arith.select %gt3A_126, %squeeze3A_125, %select_n3A_120 : f32
    %select_n3A_128 = arith.select %gt3A_126, %get3A_123, %select_n3A_121 : vector<16xf32>
    %get3A_129 = arith.constant 640 : index
    %get3A_130 = tpu.vector_load %arg13[%get3A_129] {strides = array<i32>} : memref<1024xf32, #tpu.memory_space<vmem>>, vector<16xf32>,
    %slice3A_131 = vector.extract_strided_slice %get3A_130 {offsets = [0], sizes = [1], strides = [1]} : vector<16xf32> to vector<1xf32>
    %squeeze3A_132 = vector.extract %slice3A_131[0] : f32 from vector<1xf32>
    %gt3A_133 = arith.cmpf ogt, %squeeze3A_132, %select_n3A_127 : f32
    %select_n3A_134 = arith.select %gt3A_133, %squeeze3A_132, %select_n3A_127 : f32
    %select_n3A_135 = arith.select %gt3A_133, %get3A_130, %select_n3A_128 : vector<16xf32>
    %get3A_136 = arith.constant 704 : index
    %get3A_137 = tpu.vector_load %arg13[%get3A_136] {strides = array<i32>} : memref<1024xf32, #tpu.memory_space<vmem>>, vector<16xf32>,
    %slice3A_138 = vector.extract_strided_slice %get3A_137 {offsets = [0], sizes = [1], strides = [1]} : vector<16xf32> to vector<1xf32>
    %squeeze3A_139 = vector.extract %slice3A_138[0] : f32 from vector<1xf32>
    %gt3A_140 = arith.cmpf ogt, %squeeze3A_139, %select_n3A_134 : f32
    %select_n3A_141 = arith.select %gt3A_140, %squeeze3A_139, %select_n3A_134 : f32
    %select_n3A_142 = arith.select %gt3A_140, %get3A_137, %select_n3A_135 : vector<16xf32>
    %get3A_143 = arith.constant 768 : index
    %get3A_144 = tpu.vector_load %arg13[%get3A_143] {strides = array<i32>} : memref<1024xf32, #tpu.memory_space<vmem>>, vector<16xf32>,
    %slice3A_145 = vector.extract_strided_slice %get3A_144 {offsets = [0], sizes = [1], strides = [1]} : vector<16xf32> to vector<1xf32>
    %squeeze3A_146 = vector.extract %slice3A_145[0] : f32 from vector<1xf32>
    %gt3A_147 = arith.cmpf ogt, %squeeze3A_146, %select_n3A_141 : f32
    %select_n3A_148 = arith.select %gt3A_147, %squeeze3A_146, %select_n3A_141 : f32
    %select_n3A_149 = arith.select %gt3A_147, %get3A_144, %select_n3A_142 : vector<16xf32>
    %get3A_150 = arith.constant 832 : index
    %get3A_151 = tpu.vector_load %arg13[%get3A_150] {strides = array<i32>} : memref<1024xf32, #tpu.memory_space<vmem>>, vector<16xf32>,
    %slice3A_152 = vector.extract_strided_slice %get3A_151 {offsets = [0], sizes = [1], strides = [1]} : vector<16xf32> to vector<1xf32>
    %squeeze3A_153 = vector.extract %slice3A_152[0] : f32 from vector<1xf32>
    %gt3A_154 = arith.cmpf ogt, %squeeze3A_153, %select_n3A_148 : f32
    %select_n3A_155 = arith.select %gt3A_154, %squeeze3A_153, %select_n3A_148 : f32
    %select_n3A_156 = arith.select %gt3A_154, %get3A_151, %select_n3A_149 : vector<16xf32>
    %get3A_157 = arith.constant 896 : index
    %get3A_158 = tpu.vector_load %arg13[%get3A_157] {strides = array<i32>} : memref<1024xf32, #tpu.memory_space<vmem>>, vector<16xf32>,
    %slice3A_159 = vector.extract_strided_slice %get3A_158 {offsets = [0], sizes = [1], strides = [1]} : vector<16xf32> to vector<1xf32>
    %squeeze3A_160 = vector.extract %slice3A_159[0] : f32 from vector<1xf32>
    %gt3A_161 = arith.cmpf ogt, %squeeze3A_160, %select_n3A_155 : f32
    %select_n3A_162 = arith.select %gt3A_161, %squeeze3A_160, %select_n3A_155 : f32
    %select_n3A_163 = arith.select %gt3A_161, %get3A_158, %select_n3A_156 : vector<16xf32>
    %get3A_164 = arith.constant 960 : index
    %get3A_165 = tpu.vector_load %arg13[%get3A_164] {strides = array<i32>} : memref<1024xf32, #tpu.memory_space<vmem>>, vector<16xf32>,
    %slice3A_166 = vector.extract_strided_slice %get3A_165 {offsets = [0], sizes = [1], strides = [1]} : vector<16xf32> to vector<1xf32>
    %squeeze3A_167 = vector.extract %slice3A_166[0] : f32 from vector<1xf32>
    %gt3A_168 = arith.cmpf ogt, %squeeze3A_167, %select_n3A_162 : f32
    %select_n3A_169 = arith.select %gt3A_168, %squeeze3A_167, %select_n3A_162 : f32
    %select_n3A_170 = arith.select %gt3A_168, %get3A_165, %select_n3A_163 : vector<16xf32>
    %slice3A_171 = vector.extract_strided_slice %select_n3A_170 {offsets = [2], sizes = [1], strides = [1]} : vector<16xf32> to vector<1xf32>
    %squeeze3A_172 = vector.extract %slice3A_171[0] : f32 from vector<1xf32>
    %slice3A_173 = vector.extract_strided_slice %select_n3A_170 {offsets = [3], sizes = [1], strides = [1]} : vector<16xf32> to vector<1xf32>
    %squeeze3A_174 = vector.extract %slice3A_173[0] : f32 from vector<1xf32>
    %slice3A_175 = vector.extract_strided_slice %select_n3A_170 {offsets = [4], sizes = [1], strides = [1]} : vector<16xf32> to vector<1xf32>
    %squeeze3A_176 = vector.extract %slice3A_175[0] : f32 from vector<1xf32>
    %slice3A_177 = vector.extract_strided_slice %select_n3A_170 {offsets = [5], sizes = [1], strides = [1]} : vector<16xf32> to vector<1xf32>
    %squeeze3A_178 = vector.extract %slice3A_177[0] : f32 from vector<1xf32>
    %broadcast_in_dim3A_179 = arith.constant 2047 : i32
    %broadcast_in_dim3A_180 = vector.broadcast %broadcast_in_dim3A_179 : i32 to vector<16xi32>
    %broadcast_in_dim3A_181 = vector.broadcast %squeeze3A_172 : f32 to vector<16xf32>
    tpu.vector_store_idx %arg14[%broadcast_in_dim3A_180], %broadcast_in_dim3A_181 masked %eq3A_54 : memref<2048xf32, #tpu.memory_space<vmem>>[vector<16xi32>], vector<16xf32>, vector<16xi1>
    %broadcast_in_dim3A_182 = vector.broadcast %squeeze3A_174 : f32 to vector<16xf32>
    tpu.vector_store_idx %arg15[%broadcast_in_dim3A_180], %broadcast_in_dim3A_182 masked %eq3A_54 : memref<2048xf32, #tpu.memory_space<vmem>>[vector<16xi32>], vector<16xf32>, vector<16xi1>
    %broadcast_in_dim3A_183 = vector.broadcast %squeeze3A_176 : f32 to vector<16xf32>
    tpu.vector_store_idx %arg16[%broadcast_in_dim3A_180], %broadcast_in_dim3A_183 masked %eq3A_54 : memref<2048xf32, #tpu.memory_space<vmem>>[vector<16xi32>], vector<16xf32>, vector<16xi1>
    %broadcast_in_dim3A_184 = vector.broadcast %squeeze3A_178 : f32 to vector<16xf32>
    tpu.vector_store_idx %arg17[%broadcast_in_dim3A_180], %broadcast_in_dim3A_184 masked %eq3A_54 : memref<2048xf32, #tpu.memory_space<vmem>>[vector<16xi32>], vector<16xf32>, vector<16xi1>
    %eq3A_185 = arith.constant 0 : i32
    %eq3A_186 = arith.cmpi eq, %arg1, %eq3A_185 : i32
    %convert_element_type3A_187 = arith.extui %eq3A_186 : i1 to i32
    %cond3A = arith.constant 0 : i32
    %cond3A_188 = arith.cmpi ne, %convert_element_type3A_187, %cond3A : i32
    scf.if %cond3A_188 {
      %run_scoped3A = arith.constant 0 : i32
      "tpu.region"() ({
        %run_scoped3A_192 = tpu.sem_alloc : memref<!tpu.dma_semaphore, #tpu.memory_space<semaphore_mem>>
        %dma_start3A = arith.constant 0 : i32
        %dma_start3A_193 = tpu.memref_slice %arg6[%run_scoped3A, %dma_start3A] : memref<4x2048xf32, #tpu.memory_space<hbm>> -> memref<1x2048xf32, #tpu.memory_space<hbm>>
        %dma_start3A_194 = tpu.memref_squeeze %dma_start3A_193 : memref<1x2048xf32, #tpu.memory_space<hbm>> -> memref<2048xf32, #tpu.memory_space<hbm>>
        %dma_start3A_195 = arith.constant 0 : i32
        %dma_start3A_196 = tpu.memref_slice %arg6[%run_scoped3A, %dma_start3A_195] : memref<4x2048xf32, #tpu.memory_space<hbm>> -> memref<1x2048xf32, #tpu.memory_space<hbm>>
        %dma_start3A_197 = tpu.memref_squeeze %dma_start3A_196 : memref<1x2048xf32, #tpu.memory_space<hbm>> -> memref<2048xf32, #tpu.memory_space<hbm>>
        tpu.enqueue_dma source(%arg14 : memref<2048xf32, #tpu.memory_space<vmem>>) target(%dma_start3A_197 : memref<2048xf32, #tpu.memory_space<hbm>>) target_semaphore(%run_scoped3A_192 : memref<!tpu.dma_semaphore, #tpu.memory_space<semaphore_mem>>)
        %dma_wait3A = arith.constant 0 : i32
        %dma_wait3A_198 = tpu.memref_slice %arg6[%run_scoped3A, %dma_wait3A] : memref<4x2048xf32, #tpu.memory_space<hbm>> -> memref<1x2048xf32, #tpu.memory_space<hbm>>
        %dma_wait3A_199 = tpu.memref_squeeze %dma_wait3A_198 : memref<1x2048xf32, #tpu.memory_space<hbm>> -> memref<2048xf32, #tpu.memory_space<hbm>>
        %dma_wait3A_200 = arith.constant 0 : i32
        %dma_wait3A_201 = tpu.memref_slice %arg6[%run_scoped3A, %dma_wait3A_200] : memref<4x2048xf32, #tpu.memory_space<hbm>> -> memref<1x2048xf32, #tpu.memory_space<hbm>>
        %dma_wait3A_202 = tpu.memref_squeeze %dma_wait3A_201 : memref<1x2048xf32, #tpu.memory_space<hbm>> -> memref<2048xf32, #tpu.memory_space<hbm>>
        tpu.wait_dma2 semaphore(%run_scoped3A_192 : memref<!tpu.dma_semaphore, #tpu.memory_space<semaphore_mem>>) src(%arg14 : memref<2048xf32, #tpu.memory_space<vmem>>) dst(%dma_wait3A_202 : memref<2048xf32, #tpu.memory_space<hbm>>)
        tpu.yield
      }) : () -> ()
      %run_scoped3A_189 = arith.constant 1 : i32
      "tpu.region"() ({
        %run_scoped3A_192 = tpu.sem_alloc : memref<!tpu.dma_semaphore, #tpu.memory_space<semaphore_mem>>
        %dma_start3A = arith.constant 0 : i32
        %dma_start3A_193 = tpu.memref_slice %arg6[%run_scoped3A_189, %dma_start3A] : memref<4x2048xf32, #tpu.memory_space<hbm>> -> memref<1x2048xf32, #tpu.memory_space<hbm>>
        %dma_start3A_194 = tpu.memref_squeeze %dma_start3A_193 : memref<1x2048xf32, #tpu.memory_space<hbm>> -> memref<2048xf32, #tpu.memory_space<hbm>>
        %dma_start3A_195 = arith.constant 0 : i32
        %dma_start3A_196 = tpu.memref_slice %arg6[%run_scoped3A_189, %dma_start3A_195] : memref<4x2048xf32, #tpu.memory_space<hbm>> -> memref<1x2048xf32, #tpu.memory_space<hbm>>
        %dma_start3A_197 = tpu.memref_squeeze %dma_start3A_196 : memref<1x2048xf32, #tpu.memory_space<hbm>> -> memref<2048xf32, #tpu.memory_space<hbm>>
        tpu.enqueue_dma source(%arg15 : memref<2048xf32, #tpu.memory_space<vmem>>) target(%dma_start3A_197 : memref<2048xf32, #tpu.memory_space<hbm>>) target_semaphore(%run_scoped3A_192 : memref<!tpu.dma_semaphore, #tpu.memory_space<semaphore_mem>>)
        %dma_wait3A = arith.constant 0 : i32
        %dma_wait3A_198 = tpu.memref_slice %arg6[%run_scoped3A_189, %dma_wait3A] : memref<4x2048xf32, #tpu.memory_space<hbm>> -> memref<1x2048xf32, #tpu.memory_space<hbm>>
        %dma_wait3A_199 = tpu.memref_squeeze %dma_wait3A_198 : memref<1x2048xf32, #tpu.memory_space<hbm>> -> memref<2048xf32, #tpu.memory_space<hbm>>
        %dma_wait3A_200 = arith.constant 0 : i32
        %dma_wait3A_201 = tpu.memref_slice %arg6[%run_scoped3A_189, %dma_wait3A_200] : memref<4x2048xf32, #tpu.memory_space<hbm>> -> memref<1x2048xf32, #tpu.memory_space<hbm>>
        %dma_wait3A_202 = tpu.memref_squeeze %dma_wait3A_201 : memref<1x2048xf32, #tpu.memory_space<hbm>> -> memref<2048xf32, #tpu.memory_space<hbm>>
        tpu.wait_dma2 semaphore(%run_scoped3A_192 : memref<!tpu.dma_semaphore, #tpu.memory_space<semaphore_mem>>) src(%arg15 : memref<2048xf32, #tpu.memory_space<vmem>>) dst(%dma_wait3A_202 : memref<2048xf32, #tpu.memory_space<hbm>>)
        tpu.yield
      }) : () -> ()
      %run_scoped3A_190 = arith.constant 2 : i32
      "tpu.region"() ({
        %run_scoped3A_192 = tpu.sem_alloc : memref<!tpu.dma_semaphore, #tpu.memory_space<semaphore_mem>>
        %dma_start3A = arith.constant 0 : i32
        %dma_start3A_193 = tpu.memref_slice %arg6[%run_scoped3A_190, %dma_start3A] : memref<4x2048xf32, #tpu.memory_space<hbm>> -> memref<1x2048xf32, #tpu.memory_space<hbm>>
        %dma_start3A_194 = tpu.memref_squeeze %dma_start3A_193 : memref<1x2048xf32, #tpu.memory_space<hbm>> -> memref<2048xf32, #tpu.memory_space<hbm>>
        %dma_start3A_195 = arith.constant 0 : i32
        %dma_start3A_196 = tpu.memref_slice %arg6[%run_scoped3A_190, %dma_start3A_195] : memref<4x2048xf32, #tpu.memory_space<hbm>> -> memref<1x2048xf32, #tpu.memory_space<hbm>>
        %dma_start3A_197 = tpu.memref_squeeze %dma_start3A_196 : memref<1x2048xf32, #tpu.memory_space<hbm>> -> memref<2048xf32, #tpu.memory_space<hbm>>
        tpu.enqueue_dma source(%arg16 : memref<2048xf32, #tpu.memory_space<vmem>>) target(%dma_start3A_197 : memref<2048xf32, #tpu.memory_space<hbm>>) target_semaphore(%run_scoped3A_192 : memref<!tpu.dma_semaphore, #tpu.memory_space<semaphore_mem>>)
        %dma_wait3A = arith.constant 0 : i32
        %dma_wait3A_198 = tpu.memref_slice %arg6[%run_scoped3A_190, %dma_wait3A] : memref<4x2048xf32, #tpu.memory_space<hbm>> -> memref<1x2048xf32, #tpu.memory_space<hbm>>
        %dma_wait3A_199 = tpu.memref_squeeze %dma_wait3A_198 : memref<1x2048xf32, #tpu.memory_space<hbm>> -> memref<2048xf32, #tpu.memory_space<hbm>>
        %dma_wait3A_200 = arith.constant 0 : i32
        %dma_wait3A_201 = tpu.memref_slice %arg6[%run_scoped3A_190, %dma_wait3A_200] : memref<4x2048xf32, #tpu.memory_space<hbm>> -> memref<1x2048xf32, #tpu.memory_space<hbm>>
        %dma_wait3A_202 = tpu.memref_squeeze %dma_wait3A_201 : memref<1x2048xf32, #tpu.memory_space<hbm>> -> memref<2048xf32, #tpu.memory_space<hbm>>
        tpu.wait_dma2 semaphore(%run_scoped3A_192 : memref<!tpu.dma_semaphore, #tpu.memory_space<semaphore_mem>>) src(%arg16 : memref<2048xf32, #tpu.memory_space<vmem>>) dst(%dma_wait3A_202 : memref<2048xf32, #tpu.memory_space<hbm>>)
        tpu.yield
      }) : () -> ()
      %run_scoped3A_191 = arith.constant 3 : i32
      "tpu.region"() ({
        %run_scoped3A_192 = tpu.sem_alloc : memref<!tpu.dma_semaphore, #tpu.memory_space<semaphore_mem>>
        %dma_start3A = arith.constant 0 : i32
        %dma_start3A_193 = tpu.memref_slice %arg6[%run_scoped3A_191, %dma_start3A] : memref<4x2048xf32, #tpu.memory_space<hbm>> -> memref<1x2048xf32, #tpu.memory_space<hbm>>
        %dma_start3A_194 = tpu.memref_squeeze %dma_start3A_193 : memref<1x2048xf32, #tpu.memory_space<hbm>> -> memref<2048xf32, #tpu.memory_space<hbm>>
        %dma_start3A_195 = arith.constant 0 : i32
        %dma_start3A_196 = tpu.memref_slice %arg6[%run_scoped3A_191, %dma_start3A_195] : memref<4x2048xf32, #tpu.memory_space<hbm>> -> memref<1x2048xf32, #tpu.memory_space<hbm>>
        %dma_start3A_197 = tpu.memref_squeeze %dma_start3A_196 : memref<1x2048xf32, #tpu.memory_space<hbm>> -> memref<2048xf32, #tpu.memory_space<hbm>>
        tpu.enqueue_dma source(%arg17 : memref<2048xf32, #tpu.memory_space<vmem>>) target(%dma_start3A_197 : memref<2048xf32, #tpu.memory_space<hbm>>) target_semaphore(%run_scoped3A_192 : memref<!tpu.dma_semaphore, #tpu.memory_space<semaphore_mem>>)
        %dma_wait3A = arith.constant 0 : i32
        %dma_wait3A_198 = tpu.memref_slice %arg6[%run_scoped3A_191, %dma_wait3A] : memref<4x2048xf32, #tpu.memory_space<hbm>> -> memref<1x2048xf32, #tpu.memory_space<hbm>>
        %dma_wait3A_199 = tpu.memref_squeeze %dma_wait3A_198 : memref<1x2048xf32, #tpu.memory_space<hbm>> -> memref<2048xf32, #tpu.memory_space<hbm>>
        %dma_wait3A_200 = arith.constant 0 : i32
        %dma_wait3A_201 = tpu.memref_slice %arg6[%run_scoped3A_191, %dma_wait3A_200] : memref<4x2048xf32, #tpu.memory_space<hbm>> -> memref<1x2048xf32, #tpu.memory_space<hbm>>
        %dma_wait3A_202 = tpu.memref_squeeze %dma_wait3A_201 : memref<1x2048xf32, #tpu.memory_space<hbm>> -> memref<2048xf32, #tpu.memory_space<hbm>>
        tpu.wait_dma2 semaphore(%run_scoped3A_192 : memref<!tpu.dma_semaphore, #tpu.memory_space<semaphore_mem>>) src(%arg17 : memref<2048xf32, #tpu.memory_space<vmem>>) dst(%dma_wait3A_202 : memref<2048xf32, #tpu.memory_space<hbm>>)
        tpu.yield
      }) : () -> ()
    } else {
    }
    return
  }
}

</mosaic_0001>

<sc_bundles>
// kernel: kernel.3.cloned.1.call-start
scs
__scs_entry_jumppad:
0x0: {  	(pc) =	sbr.rel $0x88, $3  }
0x1: {  	(tag) =	ssettag $0x0;
	lr =	simm.s32 $0x1  }
0x2: {  	[smem:$0x3FA0] =	sst lr;
	_ =	strace $0xD0000000  }
0x3: {  	_ = 	snop  }
0x4: {  	_ = 	snop  }
0x5: {  	_ = 	snop  }
0x6: {  	_ = 	snop  }
0x7: {  	_ = 	snop  }
__scs_overlays_trampoline_lowered:
0x8: {  	[smem:$0x3FAF] =	sst s0  }
0x9: {  	[smem:$0x3FB0] =	sst s1  }
0xa: {  	[smem:$0x3FB1] =	sst s2  }
0xb: {  	[smem:$0x3FB2] =	sst s3  }
0xc: {  	[smem:$0x3FB3] =	sst s4  }
0xd: {  	[smem:$0x3FB4] =	sst s5  }
0xe: {  	[smem:$0x3FB5] =	sst s6  }
0xf: {  	[smem:$0x3FB6] =	sst s7  }
0x10: {  	[smem:$0x3FB7] =	sst s8  }
0x11: {  	[smem:$0x3FB8] =	sst s9;
	s0 =	simm.s32 @!p0 $0x0  }
0x12: {  	s1 =	sld [smem:$0x3F9E];
	s0 =	simm.s32 @p0 $0x1  }
0x13: {  	[smem:$0x3FB9] =	sst s0;
	s0 =	simm.s32 @!p1 $0x0  }
0x14: {  	s2 =	sld [smem:$0x3F9D];
	s0 =	simm.s32 @p1 $0x1  }
0x15: {  	[smem:$0x3FBA] =	sst s0;
	s0 =	simm.s32 @!p2 $0x0  }
0x16: {  	s3 =	sld [smem:$0x3FDB];
	s0 =	simm.s32 @p2 $0x1  }
0x17: {  	s4 =	simm.s32 $0x1BF5;
	[smem:$0x3FBC] =	sst s0  }
0x18: {  	s0 =	sld [smem:$0x3F9F];
	_ =	swait.ge [sflag:s4], $0x0  }
0x19: {  	s7 =	sld [smem:$0x3FA0]  }
0x1a: {  	s8 =	sadd.s32 $0xFFFFE003, lr  }
0x1b: {  	s9 =	sadd.s32 $0xFFFFFEF7, lr;
	s5 =	simm.s32 $0xFFFFFFFF;
	p2 =	slt.u32 s8, $0xFFFFF086  }
0x1c: {  	p1 =	slt.u32 s9, $0xF7A;
	s5 =	simm.s32 @!p2 $0x0  }
0x1d: {  	s5 =	simm.s32 @p1 $0x1;
	p0 =	seq.s32 s7, s2  }
0x1e: {  	s7 =	smul.u32 @!p0 $0xF7A, s2;
	p2 =	seq.s32 @!p0 s5, $0x0  }
0x1f: {  	s9 =	smul.u32 $0xF7A, s1;
	s8 =	simm.s32 @!p0 $0x1BF5;
	p2 =	por !p2, p0  }
0x20: {  	[sflag:s8] =	ssyncset.s32 @!p0 $0xFFFFF086;
	s6 =	sadd.s32 @!p0 s3, s7;
	s7 =	simm.s32 @!p0 $0x108  }
0x21: {  	s3 =	sadd.s32 s3, s9;
	s6 =	sadd.s32 @!p0 $0x88, s6;
	s7 =	simm.s32 @p2 $0x1082  }
0x22: {  	[simem:s7], [sflag:s8] =	dma.local @!p0 [hbm:s6], $0xF7A  }
0x23: {  	s9 =	sor.u32 $0xD0000000, s2;
	s6 =	simm.s32 $0x108;
	_ =	swait.ge @!p0 [sflag:s8], $0x0  }
0x24: {  	s3 =	sadd.s32 $0x88, s3;
	s6 =	simm.s32 @!p1 $0x1082;
	[sflag:s4] =	ssyncset.s32 $0xFFFFF086  }
0x25: {  	[simem:s6], [sflag:s4] =	dma.local [hbm:s3], $0xF7A  }
0x26: {  	[smem:$0x3FA0] =	sst s1;
	(tag) =	ssettag s2;
	_ =	strace s9  }
0x27: {  	s1 =	sld [smem:$0x3FB0]  }
0x28: {  	s2 =	sld [smem:$0x3FB1]  }
0x29: {  	s4 =	sld [smem:$0x3FB3]  }
0x2a: {  	p0 =	seq.s32 s5, $0x0;
	s5 =	sld [smem:$0x3FB4]  }
0x2b: {  	s6 =	sld [smem:$0x3FB5]  }
0x2c: {  	s7 =	sld [smem:$0x3FB6]  }
0x2d: {  	s3 =	simm.s32 $0x108;
	s8 =	sld [smem:$0x3FB7]  }
0x2e: {  	s3 =	simm.s32 @!p0 $0x1082;
	s9 =	sld [smem:$0x3FB8]  }
0x2f: {  	lr =	sadd.s32 s0, s3;
	s0 =	sld [smem:$0x3FAF]  }
0x30: {  	s3 =	sld [smem:$0x3FB2]  }
0x31: {  	[smem:$0x3FBB] =	sst s10  }
0x32: {  	s10 =	sld [smem:$0x3FB9];
	_ =	sdelay $0x3  }
0x33: {  	p0 =	seq.s32 s10, $0x1;
	s10 =	sld [smem:$0x3FBB];
	_ =	sdelay $0x3  }
0x34: {  	[smem:$0x3FBB] =	sst s10  }
0x35: {  	s10 =	sld [smem:$0x3FBA];
	_ =	sdelay $0x3  }
0x36: {  	p1 =	seq.s32 s10, $0x1;
	s10 =	sld [smem:$0x3FBB];
	_ =	sdelay $0x3  }
0x37: {  	[smem:$0x3FBB] =	sst s10  }
0x38: {  	s10 =	sld [smem:$0x3FBC]  }
0x39: {  	_ = 	snop;
	(pc) =	sbr.ind lr, $3  }
0x3a: {  	_ = 	snop  }
0x3b: {  	_ = 	snop  }
0x3c: {  	p2 =	seq.s32 s10, $0x1;
	s10 =	sld [smem:$0x3FBB]  }
0x3d: {  	_ =	shalt  }
0x3e: {  	_ =	shalt  }
0x3f: {  	_ =	shalt  }
0x40: {  	_ =	shalt  }
0x41: {  	_ =	shalt  }
0x42: {  	_ =	shalt  }
0x43: {  	_ =	shalt  }
0x44: {  	_ =	shalt  }
0x45: {  	_ =	shalt  }
0x46: {  	_ =	shalt  }
0x47: {  	_ =	shalt  }
0x48: {  	_ =	shalt  }
0x49: {  	_ =	shalt  }
0x4a: {  	_ =	shalt  }
0x4b: {  	_ =	shalt  }
0x4c: {  	_ =	shalt  }
0x4d: {  	_ =	shalt  }
0x4e: {  	_ =	shalt  }
0x4f: {  	_ =	shalt  }
0x50: {  	_ =	shalt  }
0x51: {  	_ =	shalt  }
0x52: {  	_ =	shalt  }
0x53: {  	_ =	shalt  }
0x54: {  	_ =	shalt  }
0x55: {  	_ =	shalt  }
0x56: {  	_ =	shalt  }
0x57: {  	_ =	shalt  }
0x58: {  	_ =	shalt  }
0x59: {  	_ =	shalt  }
0x5a: {  	_ =	shalt  }
0x5b: {  	_ =	shalt  }
0x5c: {  	_ =	shalt  }
0x5d: {  	_ =	shalt  }
0x5e: {  	_ =	shalt  }
0x5f: {  	_ =	shalt  }
0x60: {  	_ =	shalt  }
0x61: {  	_ =	shalt  }
0x62: {  	_ =	shalt  }
0x63: {  	_ =	shalt  }
0x64: {  	_ =	shalt  }
0x65: {  	_ =	shalt  }
0x66: {  	_ =	shalt  }
0x67: {  	_ =	shalt  }
0x68: {  	_ =	shalt  }
0x69: {  	_ =	shalt  }
0x6a: {  	_ =	shalt  }
0x6b: {  	_ =	shalt  }
0x6c: {  	_ =	shalt  }
0x6d: {  	_ =	shalt  }
0x6e: {  	_ =	shalt  }
0x6f: {  	_ =	shalt  }
0x70: {  	_ =	shalt  }
0x71: {  	_ =	shalt  }
0x72: {  	_ =	shalt  }
0x73: {  	_ =	shalt  }
0x74: {  	_ =	shalt  }
0x75: {  	_ =	shalt  }
0x76: {  	_ =	shalt  }
0x77: {  	_ =	shalt  }
0x78: {  	_ =	shalt  }
0x79: {  	_ =	shalt  }
0x7a: {  	_ =	shalt  }
0x7b: {  	_ =	shalt  }
0x7c: {  	_ =	shalt  }
0x7d: {  	_ =	shalt  }
0x7e: {  	_ =	shalt  }
0x7f: {  	_ =	shalt  }
0x80: {  	_ =	shalt  }
0x81: {  	_ =	shalt  }
0x82: {  	_ =	shalt  }
0x83: {  	_ =	shalt  }
0x84: {  	_ =	shalt  }
0x85: {  	_ =	shalt  }
0x86: {  	_ =	shalt  }
0x87: {  	_ =	shalt  }
.Lfunc_end0:
.L_simem_size_0:
called_computation_lowered:
.L_overlay_start_0:
0x88: {  	s0 =	sld [smem:$0x3FD9]  }
0x89: {  	s1 =	sld [smem:$0x3FFE];
	_ =	sdelay $0x3  }
0x8a: {  	s0 =	sadd.s32 s1, s0  }
0x8b: {  	[smem:$0x3FC7] =	sst s0  }
0x8c: {  	_ = 	snop  }
0x8d: {  	s0 =	sld [smem:$0x3FD0];
	(tm) =	ssettm $0x1  }
0x8e: {  	s16 =	sld [smem:$0x3FFB];
	_ =	sdelay $0x3  }
0x8f: {  	_ =	strace s16  }
0x90: {  	s1 =	sld [smem:$0x3FFC];
	_ =	sdelay $0x3  }
0x91: {  	_ =	strace s1  }
0x92: {  	s1 =	sld [smem:$0x3FFD];
	_ =	sdelay $0x3  }
0x93: {  	_ =	strace s1  }
0x94: {  	_ =	strace $0x8FFFFFFF  }
0x95: {  	s17 =	sld [smem:$0x3FDB];
	_ =	sdelay $0x1  }
0x96: {  	s2 =	simm.s32 $_scs_section_size  }
0x97: {  	s3 =	simm.s32 $_size__tile_overlayer_lowered;
	s4 =	simm.s32 $_tile_overlayer_lowered  }
0x98: {  	s20 =	simm.s32 $0x1BFF;
	s19 =	sshll.u32 s4, $0x1;
	s1 =	sadd.s32 s2, s17  }
0x99: {  	s5 =	simm.s32 $0x0;
	s18 =	sshll.u32 s3, $0x1;
	s3 =	sadd.s32 s19, s1  }
0x9a: {  	[timem:s5], [sflag:s20] =	dma.local [hbm:s3], s18  }
0x9b: {  	_ =	swait.ge [sflag:s20], s18  }
0x9c: {  	s2 =	ssub.s32 $0x0, s18;
	[sflag:s20] =	ssyncset.done $0x0  }
0x9d: {  	[sflag:s20] =	ssyncadd.s32 s2;
	_ =	sdelay $0x1  }
0x9e: {  	s21 =	simm.s32 $0x1B8B  }
0x9f: {  	_ =	swait.ge [sflag:s21], $0x1  }
0xa0: {  	[sflag:s21] =	ssyncset.done $0x0  }
0xa1: {  	s23 =	simm.s32 $0x1B8E;
	s22 =	sld [smem:$0x3FFE];
	[sflag:s21] =	ssyncadd.s32 $0xFFFFFFFF  }
0xa2: {  	s24 =	simm.s32 $execute0_lowered;
	[smem:$0x3FD2] =	sst s23  }
0xa3: {  	s3 =	sshll.u32 s24, $0x1;
	_ =	strace $0x80000046;
	[dreg:$0x1] =	wrdreg $0xFFFFFFFF  }
0xa4: {  	s25 =	simm.s32 $_size_execute0_lowered;
	s1 =	sadd.s32 s1, s3;
	[dreg:$0x0] =	wrdreg $0x0  }
0xa5: {  	s3 =	sshll.u32 s25, $0x1;
	[dreg:$0x2] =	wrdreg s1  }
0xa6: {  	[dreg:$0x3] =	wrdreg s3  }
0xa7: {  	[dreg:$0x4] =	wrdreg $0xC0  }
0xa8: {  	_ =	task [dreg:s5], $0x5FFFF  }
0xa9: {  	[dreg:$0x1] =	wrdreg $0xFFFFFFFF  }
0xaa: {  	[dreg:$0x0] =	wrdreg $0x60  }
0xab: {  	[dreg:$0x2] =	wrdreg s22  }
0xac: {  	[dreg:$0x3] =	wrdreg s0  }
0xad: {  	[dreg:$0x4] =	wrdreg $0x3D800  }
0xae: {  	[dreg:$0x5] =	wrdreg $0x9  }
0xaf: {  	_ =	task.clear_ibuf [dreg:s5], $0x6FFFF;
	_ =	strace $0x90000046  }
0xb0: {  	s26 =	simm.s32 $0x9;
	_ =	strace $0x80000048  }
0xb1: {  	_ =	swait.ge [sflag:s26], $0x1  }
0xb2: {  	[sflag:s26] =	ssyncadd.s32 $0xFFFFFFFF  }
0xb3: {  	_ =	strace $0x90000048  }
0xb4: {  	_ =	sfence  }
0xb5: {  	s28 =	sld [smem:$0x0];
	_ =	sdelay $0x1  }
0xb6: {  	s29 =	srdreg.scid  }
0xb7: {  	s30 =	sshll.u32 s29, $0xD;
	s31 =	sshrl.u32 s29, $0x2  }
0xb8: {  	s2 =	sand.u32 $0x4000, s30;
	s1 =	sand.u32 $0x1, s29;
	s0 =	sadd.s32 s31, s28  }
0xb9: {  	s1 =	sor.u32 s2, s1;
	s0 =	sshll.u32 s0, $0x11  }
0xba: {  	s0 =	sor.u32 s0, s1  }
0xbb: {  	s0 =	sadd.s32 $0x8F2B, s0  }
0xbc: {  	[sflag:s0] =	ssyncadd.remote.s32 $0x1  }
0xbd: {  	_ =	sfence.sel $0xFFFF  }
0xbe: {  	[dreg:$0x0] =	wrdreg $0xFFFFFFFF;
	(pc) =	sbr.abs _section_cstart, $3  }
0xbf: {  	[dreg:$0x1] =	wrdreg $0xFFFFFFFF  }
0xc0: {  	_ =	task.clear_ibuf [dreg:s5], $0x2FFFF;
	_ =	strace $0x9FFFFFFF  }
0xc1: {  	(tm) =	ssettm $0x7FFFFFFF  }
tec
execute0_lowered:
.L_overlay_start_1:
0x0: {  	(tag) =	ssettag $0x1  }
0x1: {  	s2 =	stileid.u32  }
0x2: {  	s0 =	sshrl.u32 s2, $0x3  }
0x3: {  	s4 =	rddreg [dreg:$0x0];
	s25 =	sshll.u32 s2, $0x7;
	s5 =	smul.u32 $0x2800, s0  }
0x4: {  	s1 =	rddreg [dreg:$0x1];
	s6 =	sand.u32 $0x380, s25  }
0x5: {  	s3 =	rddreg [dreg:$0x2];
	s7 =	simm.s32 $0x0;
	s5 =	sor.u32 s6, s5  }
0x6: {  	s26 =	simm.s32 $0x80;
	s8 =	simm.s32 $0x400;
	s5 =	sshrl.u32 s5, $0x3  }
0x7: {  	s28 =	simm.s32 $0x1;
	[smem:$0x7FF] =	sst s7;
	s4 =	sadd.s32 s4, s5  }
0x8: {  	s0 =	rddreg [dreg:$0x3];
	_ =	strace $0x80000047;
	s5 =	sadd.s32 $0x1E00, s4  }
0x9: {  	[tilespmem:s7], [sflag:$0x1] =	stream.strided.gather [hbm4b:s5+s26], $0x500, s8, s26, $0x38;
	[tilespmem:$0x3E00] =	vst v63  }
0xa: {  	_ =	swait.ge [sflag:s28], $0x500  }
0xb: {  	[sflag:s28] =	ssyncset.done $0x0  }
0xc: {  	s10 =	simm.s32 $0x500;
	s9 =	sadd.s32 $0xA00, s4;
	[sflag:s28] =	ssyncadd.s32 $0xFFFFFB00  }
0xd: {  	[tilespmem:s10], [sflag:$0x1] =	stream.strided.gather [hbm4b:s9+s26], $0x500, s8, s26, $0x38;
	[tilespmem:$0x3E00] =	vst v63  }
0xe: {  	_ =	swait.ge [sflag:s28], $0x500  }
0xf: {  	[sflag:s28] =	ssyncset.done $0x0  }
0x10: {  	s30 =	simm.s32 $0xA00;
	s29 =	sadd.s32 $0x1400, s4;
	[sflag:s28] =	ssyncadd.s32 $0xFFFFFB00  }
0x11: {  	[tilespmem:s30], [sflag:$0x1] =	stream.strided.gather [hbm4b:s29+s26], $0x500, s8, s26, $0x38;
	[tilespmem:$0x3E00] =	vst v63  }
0x12: {  	_ =	swait.ge [sflag:s28], $0x500  }
0x13: {  	v0 =	vlaneseq.u32;
	[sflag:s28] =	ssyncset.done $0x0  }
0x14: {  	s31 =	simm.s32 $0xF00;
	v0 =	vmul.u32 $0xFFFFFFFF, v0;
	[sflag:s28] =	ssyncadd.s32 $0xFFFFFB00  }
0x15: {  	[tilespmem:s31], [sflag:$0x1] =	stream.strided.gather [hbm4b:s4+s26], $0x500, s8, s26, $0x38;
	[tilespmem:$0x3E00] =	vst v63  }
0x16: {  	v2 =	vmov s7;
	v0 =	vadd.s32 $0x4E2, v0;
	_ =	swait.ge [sflag:s28], $0x500  }
0x17: {  	v1 =	vimm.f32 $-Inf;
	vm0 =	vlt.u32 v2, v0;
	[sflag:s28] =	ssyncset.done $0x0  }
0x18: {  	v2 =	vsel vm0, $0x7F800000, v1;
	s4 =	simm.s32 $0x1400;
	[sflag:s28] =	ssyncadd.s32 $0xFFFFFB00  }
0x19: {  	s5 =	simm.s32 $0x10;
	[tilespmem:s4+$0x0] =	vst v2  }
.LBB2_1:
0x1a: {  	p0 =	sne.s32 s5, $0x4E0  }
.Ltmp0:
0x1b: {  	_ = 	snop;
	(pc) =	sbr.rel @p0 .LBB2_1-.Ltmp0, $4  }
0x1c: {  	v2 =	vmov s5  }
0x1d: {  	vm0 =	vlt.u32 v2, v0  }
0x1e: {  	s4 =	sadd.s32 $0x10, s4;
	v2 =	vsel vm0, $0x7F800000, v1  }
0x1f: {  	s5 =	sadd.s32 $0x10, s5;
	[tilespmem:s4+$0x0] =	vst v2  }
0x20: {  	v0 =	vld.msk [tilespmem:$0xA00 ss:$0x0], $0xffff  }
0x21: {  	v1 =	vld.msk [tilespmem:$0xF00 ss:$0x0], $0xffff  }
0x22: {  	v2 =	vld.msk [tilespmem:$0x500 ss:$0x0], $0xffff  }
0x23: {  	v3 =	vld.msk [tilespmem:$0x0 ss:$0x0], $0xffff;
	_ =	sdelay $0x1  }
0x24: {  	vm0 =	vcmask $0x3F14  }
0x25: {  	vm1 =	vcmask $0x3F10;
	v0 =	vsel vm0, v1, v0  }
0x26: {  	p0 =	seq.s32 s2, $0x0;
	s4 =	simm.f32 $+Inf;
	vm2 =	vcmask $0x3F0C;
	v1 =	vsel vm1, v0, v2;
	v0 =	vlaneseq.u32  }
0x27: {  	s4 =	simm.s32 @!p0 $0xFF800000;
	v1 =	vsel vm2, v1, v3;
	vm3 =	veq.s32 v0, $0x0  }
0x28: {  	s31 =	sshll.u32 s2, $0x6;
	s5 =	simm.s32 $0x1900;
	vm4 =	veq.s32 v0, $0x1;
	v1 =	vsel vm3, s4, v1  }
0x29: {  	s6 =	simm.s32 $0x1;
	s7 =	smul.u32 $0x4E2, s2;
	s8 =	simm.s32 $0x0;
	v1 =	vsel vm4, $0x0, v1  }
0x2a: {  	s9 =	simm.s32 $0x1980;
	s10 =	simm.s32 $0x1D80;
	s4 =	sadd.s32 s31, s3;
	[tilespmem:$0x1900] =	vst v1  }
0x2b: {  	[spmem:s4] =	stream.linear.scatter [tilespmem:s5], [sflag:$0x1], $0x10, $0x38;
	[tilespmem:$0x3E00] =	vst v63  }
0x2c: {  	s11 =	simm.s32 $0x2580;
	s12 =	simm.s32 $0x2D80;
	_ =	swait.ge [sflag:s6], $0x10  }
0x2d: {  	s13 =	simm.s32 $0x3580;
	s15 =	scvt.s32.f32 s7;
	[sflag:s6] =	ssyncset.done $0x0  }
0x2e: {  	s14 =	simm.s32 $0x500;
	s16 =	simm.s32 $0xF00;
	[sflag:s6] =	ssyncadd.s32 $0xFFFFFFF0  }
0x2f: {  	s17 =	simm.s32 $0x0;
	vm3 =	vcmask $0x3F08;
	vm4 =	vcmask $0x3F04;
	v1 =	vmov s15;
	s15 =	simm.s32 $0xA00;
	[bflag:$0x0] =	sbarrier.arrive $0xFFFF  }
.LBB2_3:
0x30: {  	s18 =	sshll.u32 s17, $0xA  }
0x31: {  	s18 =	sand.u32 $0x400, s18  }
0x32: {  	s18 =	sadd.s32 s18, s3  }
0x33: {  	[tilespmem:s9], [sflag:$0x1] =	stream.linear.gather [spmem:s18], $0x400, $0x38;
	[tilespmem:$0x3E00] =	vst v63  }
0x34: {  	_ =	swait.ge [sflag:s6], $0x400  }
0x35: {  	[sflag:s6] =	ssyncset.done $0x0  }
0x36: {  	[sflag:s6] =	ssyncadd.s32 $0xFFFFFC00  }
0x37: {  	v2 =	vld [tilespmem:$0x1980]  }
0x38: {  	v3 =	vld [tilespmem:$0x19C0];
	_ =	sdelay $0x2  }
0x39: {  	v4 =	vld [tilespmem:$0x1A00]  }
0x3a: {  	(v2sf) =	vpush v2, $0x0  }
0x3b: {  	(v2sf) =	vpush v3, $0x0  }
0x3c: {  	v5 =	vld [tilespmem:$0x1A40];
	_ =	sdelay $0x1  }
0x3d: {  	(v2sf) =	vpush v4, $0x0  }
0x3e: {  	v6 =	vld [tilespmem:$0x1A80];
	_ =	sdelay $0x1  }
0x3f: {  	(v2sf) =	vpush v5, $0x0  }
0x40: {  	v7 =	vld [tilespmem:$0x1AC0];
	_ =	sdelay $0x1  }
0x41: {  	(v2sf) =	vpush v6, $0x0  }
0x42: {  	v8 =	vld [tilespmem:$0x1B00];
	_ =	sdelay $0x1  }
0x43: {  	(v2sf) =	vpush v7, $0x0  }
0x44: {  	v9 =	vld [tilespmem:$0x1B40]  }
0x45: {  	s18 =	spop (v2sf)  }
0x46: {  	(v2sf) =	vpush v8, $0x0;
	s19 =	spop (v2sf)  }
0x47: {  	v10 =	vld [tilespmem:$0x1B80];
	p0 =	sgt.f32 s19, s18;
	_ =	sdelay $0x1  }
0x48: {  	(v2sf) =	vpush v9, $0x0;
	s18 =	smov.u32 @p0 s19;
	s19 =	spop (v2sf)  }
0x49: {  	v11 =	vld [tilespmem:$0x1BC0];
	p1 =	sgt.f32 s19, s18;
	_ =	sdelay $0x1  }
0x4a: {  	(v2sf) =	vpush v10, $0x0;
	s20 =	simm.s32 @!p1 $0x0;
	s18 =	smov.u32 @p1 s19;
	s19 =	spop (v2sf)  }
0x4b: {  	v12 =	vld [tilespmem:$0x1C00];
	s20 =	simm.s32 @p1 $0x1;
	p1 =	sgt.f32 s19, s18  }
0x4c: {  	[smem:$0x7F9] =	sst s20  }
0x4d: {  	(v2sf) =	vpush v11, $0x0;
	s20 =	simm.s32 @!p1 $0x0;
	s18 =	smov.u32 @p1 s19;
	s19 =	spop (v2sf)  }
0x4e: {  	v13 =	vld [tilespmem:$0x1C40];
	s20 =	simm.s32 @p1 $0x1;
	p1 =	sgt.f32 s19, s18  }
0x4f: {  	[smem:$0x7FA] =	sst s20  }
0x50: {  	(v2sf) =	vpush v12, $0x0;
	s20 =	simm.s32 @!p1 $0x0;
	s18 =	smov.u32 @p1 s19;
	s19 =	spop (v2sf)  }
0x51: {  	v14 =	vld [tilespmem:$0x1C80];
	s20 =	simm.s32 @p1 $0x1;
	p1 =	sgt.f32 s19, s18  }
0x52: {  	[smem:$0x7FB] =	sst s20  }
0x53: {  	s20 =	simm.s32 @!p1 $0x0;
	s18 =	smov.u32 @p1 s19;
	s19 =	spop (v2sf);
	(v2sf) =	vpush v13, $0x0  }
0x54: {  	v15 =	vld [tilespmem:$0x1CC0];
	s20 =	simm.s32 @p1 $0x1;
	p1 =	sgt.f32 s19, s18;
	_ =	sdelay $0x1  }
0x55: {  	s18 =	smov.u32 @p1 s19;
	s19 =	spop (v2sf);
	(v2sf) =	vpush v14, $0x0  }
0x56: {  	v16 =	vld [tilespmem:$0x1D00];
	p6 =	sgt.f32 s19, s18;
	_ =	sdelay $0x1  }
0x57: {  	s18 =	smov.u32 @p6 s19;
	s19 =	spop (v2sf);
	(v2sf) =	vpush v15, $0x0  }
0x58: {  	v17 =	vld [tilespmem:$0x1D40];
	p4 =	sgt.f32 s19, s18;
	_ =	sdelay $0x1  }
0x59: {  	s18 =	smov.u32 @p4 s19;
	s19 =	spop (v2sf);
	(v2sf) =	vpush v16, $0x0  }
0x5a: {  	p3 =	sgt.f32 s19, s18  }
0x5b: {  	s25 =	sld [smem:$0x7F9]  }
0x5c: {  	s26 =	sld [smem:$0x7FA];
	s18 =	smov.u32 @p3 s19;
	s19 =	spop (v2sf);
	(v2sf) =	vpush v17, $0x0  }
0x5d: {  	[smem:$0x7FC] =	sst s20;
	s20 =	simm.s32 @!p1 $0x0;
	p2 =	sgt.f32 s19, s18  }
0x5e: {  	s28 =	sld [smem:$0x7FB];
	s20 =	simm.s32 @p1 $0x1  }
0x5f: {  	[smem:$0x7FD] =	sst s20;
	s20 =	spop (v2sf);
	s18 =	smov.u32 @p2 s19  }
0x60: {  	v2 =	vpsel p0, v3, v2;
	p5 =	seq.s32 s25, $0x1;
	s29 =	sld [smem:$0x7FC];
	p1 =	sgt.f32 s20, s18  }
0x61: {  	v2 =	vpsel p5, v4, v2;
	p5 =	seq.s32 s26, $0x1;
	s30 =	sld [smem:$0x7FD]  }
0x62: {  	v2 =	vpsel p5, v5, v2;
	p5 =	seq.s32 s28, $0x1;
	s19 =	spop (v2sf);
	s18 =	smov.u32 @p1 s20  }
0x63: {  	v2 =	vpsel p5, v6, v2;
	p5 =	seq.s32 s29, $0x1;
	p0 =	sgt.f32 s19, s18  }
0x64: {  	v2 =	vpsel p5, v7, v2;
	p5 =	seq.s32 s30, $0x1  }
0x65: {  	v2 =	vpsel p5, v8, v2;
	s20 =	spop (v2sf);
	s18 =	smov.u32 @p0 s19  }
0x66: {  	v2 =	vpsel p6, v9, v2;
	p5 =	sgt.f32 s20, s18  }
0x67: {  	v2 =	vpsel p4, v10, v2  }
0x68: {  	v2 =	vpsel p3, v11, v2;
	s19 =	spop (v2sf);
	s18 =	smov.u32 @p5 s20  }
0x69: {  	v2 =	vpsel p2, v12, v2;
	p2 =	sgt.f32 s19, s18  }
0x6a: {  	v2 =	vpsel p1, v13, v2  }
0x6b: {  	v2 =	vpsel p0, v14, v2;
	s18 =	smov.u32 @p2 s19;
	s31 =	spop (v2sf)  }
0x6c: {  	v5 =	vmov s17;
	v2 =	vpsel p5, v15, v2;
	p6 =	sgt.f32 s31, s18  }
0x6d: {  	v2 =	vpsel p2, v16, v2  }
0x6e: {  	v6 =	vpsel p6, v17, v2  }
0x6f: {  	v2 =	vbroadcast v6, $0x2  }
0x70: {  	v3 =	vbroadcast v6, $0x3  }
0x71: {  	v4 =	vbroadcast v6, $0x4;
	[tilespmem:v5+s10+$0x0] =	vst.idx.msk $0x1, v2  }
0x72: {  	v6 =	vbroadcast v6, $0x5;
	[tilespmem:v5+s11+$0x0] =	vst.idx.msk $0x1, v3  }
0x73: {  	[tilespmem:v5+s12+$0x0] =	vst.idx.msk $0x1, v4  }
0x74: {  	[tilespmem:v5+s13+$0x0] =	vst.idx.msk $0x1, v6  }
0x75: {  	v5 =	vld [tilespmem:s8+$0x0]  }
0x76: {  	v6 =	vld [tilespmem:s14+$0x0];
	_ =	sdelay $0x1  }
0x77: {  	v7 =	vld [tilespmem:s15+$0x0];
	_ =	sdelay $0x2  }
0x78: {  	v5 =	vsub.f32 v5, v2;
	v6 =	vsub.f32 v6, v3;
	_ =	sdelay $0x1  }
0x79: {  	s18 =	simm.s32 $0x1400;
	v7 =	vsub.f32 v7, v4;
	v5 =	vmul.f32 v5, v5;
	v6 =	vmul.f32 v6, v6  }
0x7a: {  	v8 =	vld [tilespmem:s18+$0x0]  }
0x7b: {  	v5 =	vadd.f32 v6, v5;
	v6 =	vmul.f32 v7, v7  }
0x7c: {  	v7 =	vor.u32 s8, v0  }
0x7d: {  	v5 =	vadd.f32 v6, v5;
	v6 =	vcvt.s32.f32 v7;
	_ =	sdelay $0x1  }
0x7e: {  	v62 =	vimm.f32 $-Inf;
	v5 =	vmin.f32 v8, v5;
	v8 =	vadd.f32 v6, v1  }
0x7f: {  	v63 =	vimm.f32 $3.000000010e+38;
	s21 =	simm.s32 $0x510;
	s19 =	simm.s32 $0x10;
	[tilespmem:s18+$0x0] =	vst v5;
	vm5 =	vgt.f32 v5, v62  }
0x80: {  	s22 =	simm.s32 $0xA00;
	s23 =	simm.s32 $0x10;
	s20 =	simm.s32 $0x20;
	v7 =	vld [tilespmem:s19+$0x0];
	v6 =	vsel vm5, v5, v62;
	v5 =	vsel vm5, v8, v63  }
.LBB2_4:
0x81: {  	p0 =	sne.s32 s20, $0x4E0;
	v8 =	vld [tilespmem:s21+$0x0]  }
0x82: {  	s22 =	sadd.s32 $0x10, s22  }
0x83: {  	v9 =	vld [tilespmem:s22+$0x0];
	_ =	sdelay $0x2  }
0x84: {  	v7 =	vsub.f32 v7, v2;
	v8 =	vsub.f32 v8, v3;
	_ =	sdelay $0x1  }
0x85: {  	s18 =	sadd.s32 $0x10, s18;
	v7 =	vmul.f32 v7, v7;
	v9 =	vsub.f32 v9, v4;
	v8 =	vmul.f32 v8, v8  }
0x86: {  	v10 =	vld [tilespmem:s18+$0x0]  }
0x87: {  	v7 =	vadd.f32 v8, v7;
	v8 =	vmul.f32 v9, v9  }
0x88: {  	v9 =	vor.u32 s19, v0;
	s19 =	smov.u32 s20  }
.Ltmp1:
0x89: {  	v7 =	vadd.f32 v8, v7;
	v8 =	vcvt.s32.f32 v9;
	(pc) =	sbr.rel @p0 .LBB2_4-.Ltmp1, $4  }
0x8a: {  	_ = 	snop  }
0x8b: {  	v9 =	vmin.f32 v10, v7;
	v8 =	vadd.f32 v8, v1  }
0x8c: {  	s23 =	sadd.s32 $0x10, s23;
	[tilespmem:s18+$0x0] =	vst v9;
	vm5 =	vgt.f32 v9, v6  }
0x8d: {  	s21 =	sadd.s32 $0x10, s21;
	s20 =	sadd.s32 $0x10, s20;
	v7 =	vld [tilespmem:s23+$0x0];
	v6 =	vsel vm5, v9, v6;
	v5 =	vsel vm5, v8, v5  }
0x8e: {  	v8 =	vld [tilespmem:s21+$0x0]  }
0x8f: {  	s20 =	sadd.s32 $0x10, s22  }
0x90: {  	v9 =	vld [tilespmem:s20+$0x0];
	_ =	sdelay $0x2  }
0x91: {  	v2 =	vsub.f32 v7, v2;
	v3 =	vsub.f32 v8, v3;
	_ =	sdelay $0x1  }
0x92: {  	s18 =	sadd.s32 $0x10, s18;
	v4 =	vsub.f32 v9, v4;
	v2 =	vmul.f32 v2, v2;
	v3 =	vmul.f32 v3, v3  }
0x93: {  	v58 =	vld [tilespmem:s18+$0x0]  }
0x94: {  	v2 =	vadd.f32 v3, v2;
	v3 =	vmul.f32 v4, v4;
	_ =	sdelay $0x1  }
0x95: {  	v2 =	vadd.f32 v3, v2;
	_ =	sdelay $0x1  }
0x96: {  	v2 =	vmin.f32 v58, v2  }
0x97: {  	vm5 =	vgt.f32 v2, v6  }
0x98: {  	v3 =	vsel vm5, v2, v6  }
0x99: {  	(xrf0) =	vmax.scan.msk.f32 $0xffff, v3;
	_ =	sdelay $0x3  }
0x9a: {  	v59 =	vor.u32 s19, v0  }
0x9b: {  	v4 =	vcvt.s32.f32 v59  }
0x9c: {  	v60, _, _ =	vpop (xrf0)  }
0x9d: {  	v4 =	vadd.f32 v4, v1;
	v6 =	vbroadcast v60, $0xF;
	_ =	sdelay $0x1  }
0x9e: {  	v4 =	vsel vm5, v4, v5;
	vm5 =	veq.f32 v3, v6  }
0x9f: {  	v3 =	vnsel vm5, $0x7F61B1E6, v4  }
0xa0: {  	(xrf0) =	vmin.scan.msk.f32 $0xffff, v3;
	_ =	sdelay $0x5  }
0xa1: {  	v3, _, _ =	vpop (xrf0)  }
0xa2: {  	(v2sf) =	vpush v3, $0xF;
	_ =	sdelay $0xe  }
0xa3: {  	s30 =	spop (v2sf)  }
0xa4: {  	s19 =	scvt.f32.s32 s30;
	_ =	sdelay $0x1  }
0xa5: {  	s19 =	ssub.s32 s19, s7  }
0xa6: {  	p0 =	sgt.u32 s19, $0x4EF  }
0xa7: {  	s19 =	simm.s32 @p0 $0x0  }
0xa8: {  	v61 =	vmov s19;
	_ =	sdelay $0x3  }
0xa9: {  	[tilespmem:s18+$0x0] =	vst v2  }
0xaa: {  	v2 =	vld.idx.msk [tilespmem:v61+s15+$0x0], $0xffff  }
0xab: {  	v62 =	vld.idx.msk [tilespmem:v61+s16+$0x0], $0xffff  }
0xac: {  	v63 =	vld.idx.msk [tilespmem:v61+s14+$0x0], $0xffff  }
0xad: {  	v4 =	vld.idx.msk [tilespmem:v61+s8+$0x0], $0xffff;
	_ =	sdelay $0x2  }
0xae: {  	v2 =	vsel vm0, v62, v2  }
0xaf: {  	v3 =	vbroadcast v3, $0xF;
	v2 =	vsel vm1, v2, v63  }
0xb0: {  	s17 =	sadd.s32 $0x1, s17;
	v2 =	vsel vm2, v2, v4  }
0xb1: {  	s31 =	sshll.u32 s17, $0xA;
	v2 =	vsel vm3, v2, v3  }
0xb2: {  	s18 =	sand.u32 $0x400, s31;
	v2 =	vsel vm4, v2, v6  }
0xb3: {  	s18 =	sadd.s32 s18, s4;
	p0 =	sne.s32 s17, $0x7FF;
	[tilespmem:$0x1900] =	vst v2  }
0xb4: {  	[spmem:s18] =	stream.linear.scatter [tilespmem:s5], [sflag:$0x1], $0x10, $0x38;
	[tilespmem:$0x3E00] =	vst v63  }
.Ltmp2:
0xb5: {  	_ =	swait.ge [sflag:s6], $0x10;
	(pc) =	sbr.rel @p0 .LBB2_3-.Ltmp2, $3  }
0xb6: {  	[sflag:s6] =	ssyncset.done $0x0  }
0xb7: {  	[sflag:s6] =	ssyncadd.s32 $0xFFFFFFF0  }
0xb8: {  	[bflag:$0x0] =	sbarrier.arrive $0xFFFF;
	_ =	sdelay $0x1  }
0xb9: {  	s3 =	sadd.s32 $0x400, s3;
	s4 =	simm.s32 $0x1980;
	s20 =	simm.s32 $0x1  }
0xba: {  	[tilespmem:s4], [sflag:$0x1] =	stream.linear.gather [spmem:s3], $0x400, $0x38;
	[tilespmem:$0x3E00] =	vst v63  }
0xbb: {  	_ =	swait.ge [sflag:s20], $0x400  }
0xbc: {  	[sflag:s20] =	ssyncset.done $0x0  }
0xbd: {  	[sflag:s20] =	ssyncadd.s32 $0xFFFFFC00  }
0xbe: {  	v0 =	vld [tilespmem:$0x1980]  }
0xbf: {  	v1 =	vld [tilespmem:$0x19C0];
	_ =	sdelay $0x2  }
0xc0: {  	v2 =	vld [tilespmem:$0x1A00]  }
0xc1: {  	(v2sf) =	vpush v0, $0x0  }
0xc2: {  	(v2sf) =	vpush v1, $0x0  }
0xc3: {  	v3 =	vld [tilespmem:$0x1A40];
	_ =	sdelay $0x1  }
0xc4: {  	(v2sf) =	vpush v2, $0x0  }
0xc5: {  	v4 =	vld [tilespmem:$0x1A80];
	_ =	sdelay $0x1  }
0xc6: {  	(v2sf) =	vpush v3, $0x0  }
0xc7: {  	v5 =	vld [tilespmem:$0x1AC0];
	_ =	sdelay $0x1  }
0xc8: {  	(v2sf) =	vpush v4, $0x0  }
0xc9: {  	v6 =	vld [tilespmem:$0x1B00];
	_ =	sdelay $0x1  }
0xca: {  	(v2sf) =	vpush v5, $0x0  }
0xcb: {  	v7 =	vld [tilespmem:$0x1B40]  }
0xcc: {  	s3 =	spop (v2sf)  }
0xcd: {  	(v2sf) =	vpush v6, $0x0;
	s4 =	spop (v2sf)  }
0xce: {  	v8 =	vld [tilespmem:$0x1B80];
	p0 =	sgt.f32 s4, s3;
	_ =	sdelay $0x1  }
0xcf: {  	(v2sf) =	vpush v7, $0x0;
	s3 =	smov.u32 @p0 s4;
	s4 =	spop (v2sf)  }
0xd0: {  	v9 =	vld [tilespmem:$0x1BC0];
	p1 =	sgt.f32 s4, s3;
	_ =	sdelay $0x1  }
0xd1: {  	(v2sf) =	vpush v8, $0x0;
	s5 =	simm.s32 @!p1 $0x0;
	s3 =	smov.u32 @p1 s4;
	s4 =	spop (v2sf)  }
0xd2: {  	v10 =	vld [tilespmem:$0x1C00];
	s5 =	simm.s32 @p1 $0x1;
	p1 =	sgt.f32 s4, s3  }
0xd3: {  	[smem:$0x7F4] =	sst s5  }
0xd4: {  	(v2sf) =	vpush v9, $0x0;
	s5 =	simm.s32 @!p1 $0x0;
	s3 =	smov.u32 @p1 s4;
	s4 =	spop (v2sf)  }
0xd5: {  	v11 =	vld [tilespmem:$0x1C40];
	s5 =	simm.s32 @p1 $0x1;
	p1 =	sgt.f32 s4, s3  }
0xd6: {  	[smem:$0x7F5] =	sst s5  }
0xd7: {  	(v2sf) =	vpush v10, $0x0;
	s5 =	simm.s32 @!p1 $0x0;
	s3 =	smov.u32 @p1 s4;
	s4 =	spop (v2sf)  }
0xd8: {  	v12 =	vld [tilespmem:$0x1C80];
	s5 =	simm.s32 @p1 $0x1;
	p1 =	sgt.f32 s4, s3  }
0xd9: {  	[smem:$0x7F6] =	sst s5  }
0xda: {  	s5 =	simm.s32 @!p1 $0x0;
	s3 =	smov.u32 @p1 s4;
	s4 =	spop (v2sf);
	(v2sf) =	vpush v11, $0x0  }
0xdb: {  	v13 =	vld [tilespmem:$0x1CC0];
	s5 =	simm.s32 @p1 $0x1;
	p1 =	sgt.f32 s4, s3;
	_ =	sdelay $0x1  }
0xdc: {  	s3 =	smov.u32 @p1 s4;
	s4 =	spop (v2sf);
	(v2sf) =	vpush v12, $0x0  }
0xdd: {  	v14 =	vld [tilespmem:$0x1D00];
	p6 =	sgt.f32 s4, s3;
	_ =	sdelay $0x1  }
0xde: {  	s3 =	smov.u32 @p6 s4;
	s4 =	spop (v2sf);
	(v2sf) =	vpush v13, $0x0  }
0xdf: {  	v15 =	vld [tilespmem:$0x1D40];
	p4 =	sgt.f32 s4, s3;
	_ =	sdelay $0x1  }
0xe0: {  	s3 =	smov.u32 @p4 s4;
	s4 =	spop (v2sf);
	(v2sf) =	vpush v14, $0x0  }
0xe1: {  	p3 =	sgt.f32 s4, s3  }
0xe2: {  	s21 =	sld [smem:$0x7F4]  }
0xe3: {  	s22 =	sld [smem:$0x7F5];
	s3 =	smov.u32 @p3 s4;
	s4 =	spop (v2sf);
	(v2sf) =	vpush v15, $0x0  }
0xe4: {  	[smem:$0x7F7] =	sst s5;
	s5 =	simm.s32 @!p1 $0x0;
	p2 =	sgt.f32 s4, s3  }
0xe5: {  	s23 =	sld [smem:$0x7F6];
	s5 =	simm.s32 @p1 $0x1  }
0xe6: {  	[smem:$0x7F8] =	sst s5;
	s5 =	spop (v2sf);
	s3 =	smov.u32 @p2 s4  }
0xe7: {  	v0 =	vpsel p0, v1, v0;
	p5 =	seq.s32 s21, $0x1;
	s24 =	sld [smem:$0x7F7];
	p1 =	sgt.f32 s5, s3  }
0xe8: {  	v0 =	vpsel p5, v2, v0;
	p5 =	seq.s32 s22, $0x1;
	s25 =	sld [smem:$0x7F8]  }
0xe9: {  	v0 =	vpsel p5, v3, v0;
	p5 =	seq.s32 s23, $0x1;
	s4 =	spop (v2sf);
	s3 =	smov.u32 @p1 s5  }
0xea: {  	v0 =	vpsel p5, v4, v0;
	p5 =	seq.s32 s24, $0x1;
	p0 =	sgt.f32 s4, s3  }
0xeb: {  	v0 =	vpsel p5, v5, v0;
	p5 =	seq.s32 s25, $0x1  }
0xec: {  	v0 =	vpsel p5, v6, v0;
	s5 =	spop (v2sf);
	s3 =	smov.u32 @p0 s4  }
0xed: {  	v0 =	vpsel p6, v7, v0;
	p5 =	sgt.f32 s5, s3  }
0xee: {  	v0 =	vpsel p4, v8, v0  }
0xef: {  	v0 =	vpsel p3, v9, v0;
	s4 =	spop (v2sf);
	s3 =	smov.u32 @p5 s5  }
0xf0: {  	v0 =	vpsel p2, v10, v0;
	p2 =	sgt.f32 s4, s3  }
0xf1: {  	v0 =	vpsel p1, v11, v0  }
0xf2: {  	v0 =	vpsel p0, v12, v0;
	s3 =	smov.u32 @p2 s4;
	s26 =	spop (v2sf)  }
0xf3: {  	v60 =	vimm.s32 $0x7FF;
	v0 =	vpsel p5, v13, v0;
	p6 =	sgt.f32 s26, s3  }
0xf4: {  	v0 =	vpsel p2, v14, v0  }
0xf5: {  	v0 =	vpsel p6, v15, v0  }
0xf6: {  	v61 =	vbroadcast v0, $0x2  }
0xf7: {  	s28 =	simm.s32 $0x1D80;
	v62 =	vbroadcast v0, $0x3  }
0xf8: {  	s29 =	simm.s32 $0x2580;
	v63 =	vbroadcast v0, $0x4;
	[tilespmem:v60+s28+$0x0] =	vst.idx.msk $0x1, v61  }
0xf9: {  	s30 =	simm.s32 $0x2D80;
	v0 =	vbroadcast v0, $0x5;
	[tilespmem:v60+s29+$0x0] =	vst.idx.msk $0x1, v62  }
0xfa: {  	s31 =	simm.s32 $0x3580;
	[tilespmem:v60+s30+$0x0] =	vst.idx.msk $0x1, v63  }
0xfb: {  	p0 =	sne.s32 s2, $0x0;
	[tilespmem:v60+s31+$0x0] =	vst.idx.msk $0x1, v0  }
0xfc: {  	_ =	sfence.sel @p0 $0x180000  }
0xfd: {  	[bflag:$0x0] =	sbarrier.arrive @p0 $0xFFFF  }
0xfe: {  	s2 =	simm.s32 @!p0 $0x80;
	_ =	strace @p0 $0x90000047  }
0xff: {  	s4 =	simm.s32 @!p0 $0x1D80;
	s3 =	simm.s32 @!p0 $0x200;
	[bflag:$0x2] =	sbarrier.arrive @p0 $0xFFFF  }
0x100: {  	[hbm4b:s1+s2] =	stream.strided.scatter @!p0 [tilespmem:s4], [sflag:$0x1], $0x800, s3, s2, $0x38;
	[tilespmem:$0x3E00] =	vst v63  }
0x101: {  	s4 =	simm.s32 @!p0 $0x1  }
0x102: {  	_ =	swait.ge @!p0 [sflag:s4], $0x800  }
0x103: {  	[sflag:s4] =	ssyncset.done @!p0 $0x0  }
0x104: {  	s6 =	simm.s32 @!p0 $0x2580;
	s5 =	sadd.s32 @!p0 $0x10, s1;
	[sflag:s4] =	ssyncadd.s32 @!p0 $0xFFFFF800  }
0x105: {  	[hbm4b:s5+s2] =	stream.strided.scatter @!p0 [tilespmem:s6], [sflag:$0x1], $0x800, s3, s2, $0x38;
	[tilespmem:$0x3E00] =	vst v63  }
0x106: {  	_ =	swait.ge @!p0 [sflag:s4], $0x800  }
0x107: {  	[sflag:s4] =	ssyncset.done @!p0 $0x0  }
0x108: {  	s5 =	sadd.s32 @!p0 $0x20, s1;
	s6 =	simm.s32 @!p0 $0x2D80;
	[sflag:s4] =	ssyncadd.s32 @!p0 $0xFFFFF800  }
0x109: {  	[hbm4b:s5+s2] =	stream.strided.scatter @!p0 [tilespmem:s6], [sflag:$0x1], $0x800, s3, s2, $0x38;
	[tilespmem:$0x3E00] =	vst v63  }
0x10a: {  	_ =	swait.ge @!p0 [sflag:s4], $0x800  }
0x10b: {  	[sflag:s4] =	ssyncset.done @!p0 $0x0  }
0x10c: {  	s1 =	sadd.s32 @!p0 $0x30, s1;
	s5 =	simm.s32 @!p0 $0x3580;
	[sflag:s4] =	ssyncadd.s32 @!p0 $0xFFFFF800  }
0x10d: {  	[hbm4b:s1+s2] =	stream.strided.scatter @!p0 [tilespmem:s5], [sflag:$0x1], $0x800, s3, s2, $0x38;
	[tilespmem:$0x3E00] =	vst v63  }
0x10e: {  	_ =	swait.ge @!p0 [sflag:s4], $0x800  }
0x10f: {  	[sflag:s4] =	ssyncset.done @!p0 $0x0  }
0x110: {  	[sflag:s4] =	ssyncadd.s32 @!p0 $0xFFFFF800  }
0x111: {  	_ =	sfence.sel @!p0 $0x180000  }
0x112: {  	[bflag:$0x0] =	sbarrier.arrive @!p0 $0xFFFF  }
0x113: {  	_ =	strace @!p0 $0x90000047  }
0x114: {  	s0 =	sadd.s32 @!p0 $0x100000, s0;
	[bflag:$0x2] =	sbarrier.arrive @!p0 $0xFFFF  }
0x115: {  	[sflag:s0] =	ssyncadd.tile.s32 @!p0 $0x1;
	_ =	shalt  }
.Lfunc_end2:
_tile_overlayer_lowered:
.L_overlay_start_2:
0x116: {  	(tag) =	ssettag $0x2  }
0x117: {  	s0 =	rddreg [dreg:$0x0];
	s2 =	stileid.u32  }
0x118: {  	s1 =	rddreg [dreg:$0x1];
	p0 =	sne.s32 s2, $0x0  }
0x119: {  	s3 =	rddreg [dreg:$0x2];
	[bflag:$0x3] =	sbarrier.arrive $0xFFFF;
	s2 =	simm.s32 @!p0 $0x1C01  }
0x11a: {  	[timem:s3], [sflag:s2] =	dma.local @!p0 [hbm:s0], s1  }
0x11b: {  	s0 =	simm.s32 @!p0 $0x1  }
0x11c: {  	_ =	swait.ge @!p0 [sflag:s0], s1  }
0x11d: {  	s1 =	ssub.s32 @!p0 $0x0, s1;
	[sflag:s0] =	ssyncset.done @!p0 $0x0  }
0x11e: {  	[sflag:s0] =	ssyncadd.s32 @!p0 s1  }
0x11f: {  	[bflag:$0x3] =	sbarrier.arrive $0xFFFF  }
0x120: {  	_ =	shalt  }

</sc_bundles>
